<compile_context>
chip_gen: v7x
topology: tpu7x:2x2x1
jax: 0.10.2.dev20260603
libtpu: 0.0.44.dev20260713+nightly
codegen_flags: <defaults>
</compile_context>

<pallas_src>
import functools

import jax
import jax.numpy as jnp
from jax import lax
from jax.experimental import pallas as pl
from jax.experimental.pallas import tpu as pltpu
from jax.experimental.pallas import tpu_sc as plsc

_B, _F, _V, _D = 16384, 26, 100000, 50
_DP = 64
_NL = (_F * _DP) // 128
_EPS = 1e-5
_NC, _NS = 2, 16
_NW = _NC * _NS
_BF = _B * _F
_PER_W = _BF // _NW
_CH = 128
_NCH = _PER_W // _CH
_TW = _F * _V * 2


def _gather_body(table_hbm, idxg_hbm, idxs_hbm, out_hbm,
                 idxg_v, idxs_v, win_a, win_b, sem_a, sem_b, sem_oa, sem_ob):
    wid = lax.axis_index("s") * _NC + lax.axis_index("c")
    pltpu.sync_copy(idxg_hbm.at[pl.ds(wid * _NCH, _NCH)], idxg_v)
    pltpu.sync_copy(idxs_hbm.at[pl.ds(wid * _NCH, _NCH)], idxs_v)

    def fire(j, win, sem):
        pltpu.async_copy(table_hbm.at[idxg_v.at[j]], win, sem)

    def drain(win, sem):
        pltpu.make_async_copy(table_hbm.at[idxg_v.at[0]], win, sem).wait()

    def scat_wait(win, sem_o):
        pltpu.make_async_copy(win, out_hbm.at[idxs_v.at[0]], sem_o).wait()

    fire(0, win_a, sem_a)

    def body(j, _):
        even = lax.rem(j, 2) == 0

        @pl.when(jnp.logical_and(j + 1 < _NCH, even))
        def _():
            @pl.when(j >= 1)
            def _():
                scat_wait(win_b, sem_ob)
            fire(j + 1, win_b, sem_b)

        @pl.when(jnp.logical_and(j + 1 < _NCH, jnp.logical_not(even)))
        def _():
            scat_wait(win_a, sem_oa)
            fire(j + 1, win_a, sem_a)

        @pl.when(even)
        def _():
            drain(win_a, sem_a)
            pltpu.async_copy(win_a, out_hbm.at[idxs_v.at[j]], sem_oa)

        @pl.when(jnp.logical_not(even))
        def _():
            drain(win_b, sem_b)
            pltpu.async_copy(win_b, out_hbm.at[idxs_v.at[j]], sem_ob)

        return 0

    lax.fori_loop(0, _NCH, body, 0)
    scat_wait(win_a, sem_oa)
    scat_wait(win_b, sem_ob)


@functools.cache
def _sc_gather():
    return pl.kernel(
        _gather_body,
        out_type=jax.ShapeDtypeStruct((_BF, _DP), jnp.float32),
        mesh=plsc.VectorSubcoreMesh(
            core_axis_name="c", subcore_axis_name="s",
            num_cores=_NC, num_subcores=_NS),
        scratch_types=[
            pltpu.VMEM((_NCH, _CH), jnp.int32),
            pltpu.VMEM((_NCH, _CH), jnp.int32),
            pltpu.VMEM((_CH, _DP), jnp.float32),
            pltpu.VMEM((_CH, _DP), jnp.float32),
            pltpu.SemaphoreType.DMA,
            pltpu.SemaphoreType.DMA,
            pltpu.SemaphoreType.DMA,
            pltpu.SemaphoreType.DMA,
        ],
        compiler_params=pltpu.CompilerParams(
            use_tc_tiling_on_sc=False, needs_layout_passes=False),
    )


_BB = 512


def _mlp1_body(x_ref, num_ref, w1e_ref, w1b_ref, b1_ref, h1_ref, stats_ref,
               acc_ref):
    i = pl.program_id(0)

    @pl.when(i == 0)
    def _():
        acc_ref[...] = jnp.zeros_like(acc_ref)

    h = jnp.dot(num_ref[...], w1b_ref[...], preferred_element_type=jnp.float32)
    for c in range(_NL):
        h = h + jnp.dot(x_ref[c], w1e_ref[c], preferred_element_type=jnp.float32)
    h = jnp.maximum(h + b1_ref[...], 0.0)
    h1_ref[...] = h
    acc_ref[0:1, :] += jnp.sum(h, axis=0, keepdims=True)
    acc_ref[1:2, :] += jnp.sum(h * h, axis=0, keepdims=True)

    @pl.when(i == pl.num_programs(0) - 1)
    def _():
        stats_ref[...] = acc_ref[...]


def _mlp2a_body(h1_ref, stats_ref, g1_ref, be1_ref, w2_ref, b2_ref,
                h2_ref, stats2_ref, acc_ref):
    i = pl.program_id(0)

    @pl.when(i == 0)
    def _():
        acc_ref[...] = jnp.zeros_like(acc_ref)

    s = stats_ref[...]
    m1 = s[0:1, :] * (1.0 / _B)
    v1 = s[1:2, :] * (1.0 / _B) - m1 * m1
    h1n = (h1_ref[...] - m1) * lax.rsqrt(v1 + _EPS) * g1_ref[...] + be1_ref[...]
    h2 = jnp.dot(h1n, w2_ref[...], preferred_element_type=jnp.float32)
    h2 = jnp.maximum(h2 + b2_ref[...], 0.0)
    h2_ref[...] = h2
    acc_ref[0:1, :] += jnp.sum(h2, axis=0, keepdims=True)
    acc_ref[1:2, :] += jnp.sum(h2 * h2, axis=0, keepdims=True)

    @pl.when(i == pl.num_programs(0) - 1)
    def _():
        stats2_ref[...] = acc_ref[...]


def _mlp2b_body(h2_ref, stats2_ref, g2_ref, be2_ref, w3r_ref, b3_ref, out_ref):
    s = stats2_ref[...]
    m2 = s[0:1, :] * (1.0 / _B)
    v2 = s[1:2, :] * (1.0 / _B) - m2 * m2
    h2n = (h2_ref[...] - m2) * lax.rsqrt(v2 + _EPS) * g2_ref[...] + be2_ref[...]
    out_ref[...] = jnp.sum(h2n * w3r_ref[...], axis=1, keepdims=True) + b3_ref[...]


def _mlp1(x3, nump, w1e3, w1b, b1r):
    grid = (_B // _BB,)
    return pl.pallas_call(
        _mlp1_body,
        grid=grid,
        in_specs=[
            pl.BlockSpec((_NL, _BB, 128), lambda i: (0, i, 0)),
            pl.BlockSpec((_BB, 16), lambda i: (i, 0)),
            pl.BlockSpec((_NL, 128, 128), lambda i: (0, 0, 0)),
            pl.BlockSpec((16, 128), lambda i: (0, 0)),
            pl.BlockSpec((1, 128), lambda i: (0, 0)),
        ],
        out_specs=[
            pl.BlockSpec((_BB, 128), lambda i: (i, 0)),
            pl.BlockSpec((8, 128), lambda i: (0, 0)),
        ],
        out_shape=[
            jax.ShapeDtypeStruct((_B, 128), jnp.float32),
            jax.ShapeDtypeStruct((8, 128), jnp.float32),
        ],
        scratch_shapes=[pltpu.VMEM((8, 128), jnp.float32)],
    )(x3, nump, w1e3, w1b, b1r)


def _mlp2(h1, stats, g1r, be1r, W2, b2r, g2r, be2r, w3r, b3r):
    grid = (_B // _BB,)
    h2, stats2 = pl.pallas_call(
        _mlp2a_body,
        grid=grid,
        in_specs=[
            pl.BlockSpec((_BB, 128), lambda i: (i, 0)),
            pl.BlockSpec((8, 128), lambda i: (0, 0)),
            pl.BlockSpec((1, 128), lambda i: (0, 0)),
            pl.BlockSpec((1, 128), lambda i: (0, 0)),
            pl.BlockSpec((128, 64), lambda i: (0, 0)),
            pl.BlockSpec((1, 64), lambda i: (0, 0)),
        ],
        out_specs=[
            pl.BlockSpec((_BB, 64), lambda i: (i, 0)),
            pl.BlockSpec((8, 64), lambda i: (0, 0)),
        ],
        out_shape=[
            jax.ShapeDtypeStruct((_B, 64), jnp.float32),
            jax.ShapeDtypeStruct((8, 64), jnp.float32),
        ],
        scratch_shapes=[pltpu.VMEM((8, 64), jnp.float32)],
    )(h1, stats, g1r, be1r, W2, b2r)
    return pl.pallas_call(
        _mlp2b_body,
        grid=grid,
        in_specs=[
            pl.BlockSpec((_BB, 64), lambda i: (i, 0)),
            pl.BlockSpec((8, 64), lambda i: (0, 0)),
            pl.BlockSpec((1, 64), lambda i: (0, 0)),
            pl.BlockSpec((1, 64), lambda i: (0, 0)),
            pl.BlockSpec((1, 64), lambda i: (0, 0)),
            pl.BlockSpec((1, 1), lambda i: (0, 0)),
        ],
        out_specs=pl.BlockSpec((_BB, 1), lambda i: (i, 0)),
        out_shape=jax.ShapeDtypeStruct((_B, 1), jnp.float32),
    )(h2, stats2, g2r, be2r, w3r, b3r)


def kernel(cat_data, num_data, emb_tables, W1, b1, g1, be1, W2, b2, g2, be2, W3, b3):
    t64 = jnp.pad(emb_tables, ((0, 0), (0, 0), (0, 128 - _D))).reshape(_TW, _DP)

    offs = (jnp.arange(_F, dtype=jnp.int32) * _V)[None, :]
    flat_idx = (cat_data + offs).reshape(_BF)
    idxg = (flat_idx * 2).reshape(_NW * _NCH, _CH)

    bb = (jnp.arange(_B, dtype=jnp.int32) * 2)[:, None]
    ff = jnp.arange(_F, dtype=jnp.int32)[None, :]
    idxs = ((ff >> 1) * (2 * _B) + bb + (ff & 1)).reshape(_NW * _NCH, _CH)

    x64 = _sc_gather()(t64, idxg, idxs)
    x3 = x64.reshape(_NL, _B, 128)

    nump = jnp.pad(num_data, ((0, 0), (0, 3)))
    w1e3 = jnp.pad(W1[:_F * _D].reshape(_F, _D, 128),
                   ((0, 0), (0, _DP - _D), (0, 0))).reshape(_NL, 128, 128)
    w1b = jnp.pad(W1[_F * _D:], ((0, 3), (0, 0)))

    h1, stats = _mlp1(x3, nump, w1e3, w1b, b1.reshape(1, -1))
    out = _mlp2(h1, stats, g1.reshape(1, -1), be1.reshape(1, -1),
                W2, b2.reshape(1, -1), g2.reshape(1, -1), be2.reshape(1, -1),
                W3.reshape(1, -1), b3.reshape(1, 1))
    return out.reshape(_B)

# --- scband reference (transcript-rebuilt; emitter-appended) ---
"""Pipeline reference for scband-art-price-tabular-nn-26147760898703 (READ-ONLY COPY).

The authoritative reference and input builder live on the scoring server;
editing this copy changes nothing except your own understanding.
"""

import jax, jax.numpy as jnp
import numpy as np

B, F, V, D = 16384, 26, 100000, 50
NUM_NUMERICAL = 13
H1, H2 = 128, 64
EPS = 1e-5


def setup_inputs(seed: int = 0) -> dict:
    key = jax.random.key(seed)
    ks = jax.random.split(key, 12)
    cat_data = jax.random.randint(ks[0], (B, F), 0, V, dtype=jnp.int32)
    num_data = jax.random.normal(ks[1], (B, NUM_NUMERICAL), dtype=jnp.float32)
    emb_tables = jax.random.normal(ks[2], (F, V, D), dtype=jnp.float32) * 0.05
    in_dim = F * D + NUM_NUMERICAL
    W1 = jax.random.normal(ks[3], (in_dim, H1), dtype=jnp.float32) * (1.0 / np.sqrt(in_dim))
    b1 = jnp.zeros((H1,), dtype=jnp.float32)
    g1 = jnp.ones((H1,), dtype=jnp.float32)
    be1 = jnp.zeros((H1,), dtype=jnp.float32)
    W2 = jax.random.normal(ks[4], (H1, H2), dtype=jnp.float32) * (1.0 / np.sqrt(H1))
    b2 = jnp.zeros((H2,), dtype=jnp.float32)
    g2 = jnp.ones((H2,), dtype=jnp.float32)
    be2 = jnp.zeros((H2,), dtype=jnp.float32)
    W3 = jax.random.normal(ks[5], (H2, 1), dtype=jnp.float32) * (1.0 / np.sqrt(H2))
    b3 = jnp.zeros((1,), dtype=jnp.float32)
    return {"cat_data": cat_data, "num_data": num_data, "emb_tables": emb_tables,
            "W1": W1, "b1": b1, "g1": g1, "be1": be1,
            "W2": W2, "b2": b2, "g2": g2, "be2": be2,
            "W3": W3, "b3": b3}


def _batchnorm(x, g, b):
    mean = jnp.mean(x, axis=0)
    var = jnp.var(x, axis=0)  # biased, matching torch BatchNorm1d training normalization
    return (x - mean) / jnp.sqrt(var + EPS) * g + b


def reference(cat_data, num_data, emb_tables, W1, b1, g1, be1, W2, b2, g2, be2, W3, b3):
    # per-field embedding lookup: emb(cat_data[:, i]) for each field i
    embedded = jax.vmap(lambda tbl, idx: jnp.take(tbl, idx, axis=0), in_axes=(0, 1))(emb_tables, cat_data)  # [F, B, D]
    cat_out = jnp.transpose(embedded, (1, 0, 2)).reshape(cat_data.shape[0], F * D)
    x = jnp.concatenate([cat_out, num_data], axis=1)
    h = x @ W1 + b1
    h = jnp.maximum(h, 0.0)
    h = _batchnorm(h, g1, be1)
    # dropout is identity (eval semantics)
    h = h @ W2 + b2
    h = jnp.maximum(h, 0.0)
    h = _batchnorm(h, g2, be2)
    out = h @ W3 + b3
    return out.squeeze()

if __name__ == "__main__":
    import jax
    _d = setup_inputs()
    print(jax.jit(kernel)(*tuple(_d.values())))

</pallas_src>

<mosaic_0001>
#map = affine_map<(d0, d1) -> (0, 0)>
module attributes {stable_mosaic.version = 14 : i64} {
  func.func @_gather_body(%arg0: i32, %arg1: i32, %arg2: memref<5200000x64xf32, #tpu.memory_space<hbm>>, %arg3: memref<3328x128xi32, #tpu.memory_space<hbm>>, %arg4: memref<3328x128xi32, #tpu.memory_space<hbm>>, %arg5: memref<425984x64xf32, #tpu.memory_space<hbm>>, %arg6: memref<104x128xi32, #tpu.memory_space<vmem>>, %arg7: memref<104x128xi32, #tpu.memory_space<vmem>>, %arg8: memref<128x64xf32, #tpu.memory_space<vmem>>, %arg9: memref<128x64xf32, #tpu.memory_space<vmem>>, %arg10: memref<!tpu.dma_semaphore, #tpu.memory_space<semaphore_mem>>, %arg11: memref<!tpu.dma_semaphore, #tpu.memory_space<semaphore_mem>>, %arg12: memref<!tpu.dma_semaphore, #tpu.memory_space<semaphore_mem>>, %arg13: memref<!tpu.dma_semaphore, #tpu.memory_space<semaphore_mem>>) attributes {dimension_semantics = [#tpu.dimension_semantics<core_parallel>, #tpu.dimension_semantics<subcore_parallel>], iteration_bounds = array<i64: 2, 16>, scalar_prefetch = 0 : i64, scratch_operands = 8 : i64, tpu.core_type = #tpu.core_type<sc_vector_subcore>, window_params = [{transform_indices = #map}, {transform_indices = #map}, {transform_indices = #map}, {transform_indices = #map}]} {
    %mul3A = arith.constant 2 : i32
    %mul3A_0 = arith.muli %arg1, %mul3A : i32
    %add3A = arith.addi %mul3A_0, %arg0 : i32
    %mul3A_1 = arith.constant 104 : i32
    %mul3A_2 = arith.muli %add3A, %mul3A_1 : i32
    "tpu.region"() ({
      %run_scoped3A = tpu.sem_alloc : memref<!tpu.dma_semaphore, #tpu.memory_space<semaphore_mem>>
      %dma_start3A_30 = arith.constant 0 : i32
      %dma_start3A_31 = tpu.memref_slice %arg3[%mul3A_2, %dma_start3A_30] : memref<3328x128xi32, #tpu.memory_space<hbm>> -> memref<104x128xi32, #tpu.memory_space<hbm>>
      %dma_start3A_32 = arith.constant 0 : i32
      %dma_start3A_33 = tpu.memref_slice %arg3[%mul3A_2, %dma_start3A_32] : memref<3328x128xi32, #tpu.memory_space<hbm>> -> memref<104x128xi32, #tpu.memory_space<hbm>>
      tpu.enqueue_dma source(%dma_start3A_33 : memref<104x128xi32, #tpu.memory_space<hbm>>) target(%arg6 : memref<104x128xi32, #tpu.memory_space<vmem>>) target_semaphore(%run_scoped3A : memref<!tpu.dma_semaphore, #tpu.memory_space<semaphore_mem>>)
      %dma_wait3A_34 = arith.constant 0 : i32
      %dma_wait3A_35 = tpu.memref_slice %arg3[%mul3A_2, %dma_wait3A_34] : memref<3328x128xi32, #tpu.memory_space<hbm>> -> memref<104x128xi32, #tpu.memory_space<hbm>>
      %dma_wait3A_36 = arith.constant 0 : i32
      %dma_wait3A_37 = tpu.memref_slice %arg3[%mul3A_2, %dma_wait3A_36] : memref<3328x128xi32, #tpu.memory_space<hbm>> -> memref<104x128xi32, #tpu.memory_space<hbm>>
      tpu.wait_dma2 semaphore(%run_scoped3A : memref<!tpu.dma_semaphore, #tpu.memory_space<semaphore_mem>>) src(%dma_wait3A_37 : memref<104x128xi32, #tpu.memory_space<hbm>>) dst(%arg6 : memref<104x128xi32, #tpu.memory_space<vmem>>)
      tpu.yield
    }) : () -> ()
    %mul3A_3 = arith.constant 104 : i32
    %mul3A_4 = arith.muli %add3A, %mul3A_3 : i32
    "tpu.region"() ({
      %run_scoped3A = tpu.sem_alloc : memref<!tpu.dma_semaphore, #tpu.memory_space<semaphore_mem>>
      %dma_start3A_30 = arith.constant 0 : i32
      %dma_start3A_31 = tpu.memref_slice %arg4[%mul3A_4, %dma_start3A_30] : memref<3328x128xi32, #tpu.memory_space<hbm>> -> memref<104x128xi32, #tpu.memory_space<hbm>>
      %dma_start3A_32 = arith.constant 0 : i32
      %dma_start3A_33 = tpu.memref_slice %arg4[%mul3A_4, %dma_start3A_32] : memref<3328x128xi32, #tpu.memory_space<hbm>> -> memref<104x128xi32, #tpu.memory_space<hbm>>
      tpu.enqueue_dma source(%dma_start3A_33 : memref<104x128xi32, #tpu.memory_space<hbm>>) target(%arg7 : memref<104x128xi32, #tpu.memory_space<vmem>>) target_semaphore(%run_scoped3A : memref<!tpu.dma_semaphore, #tpu.memory_space<semaphore_mem>>)
      %dma_wait3A_34 = arith.constant 0 : i32
      %dma_wait3A_35 = tpu.memref_slice %arg4[%mul3A_4, %dma_wait3A_34] : memref<3328x128xi32, #tpu.memory_space<hbm>> -> memref<104x128xi32, #tpu.memory_space<hbm>>
      %dma_wait3A_36 = arith.constant 0 : i32
      %dma_wait3A_37 = tpu.memref_slice %arg4[%mul3A_4, %dma_wait3A_36] : memref<3328x128xi32, #tpu.memory_space<hbm>> -> memref<104x128xi32, #tpu.memory_space<hbm>>
      tpu.wait_dma2 semaphore(%run_scoped3A : memref<!tpu.dma_semaphore, #tpu.memory_space<semaphore_mem>>) src(%dma_wait3A_37 : memref<104x128xi32, #tpu.memory_space<hbm>>) dst(%arg7 : memref<104x128xi32, #tpu.memory_space<vmem>>)
      tpu.yield
    }) : () -> ()
    %dma_start3A = arith.constant 0 : i32
    %dma_start3A_5 = arith.constant 0 : i32
    %dma_start3A_6 = tpu.memref_slice %arg6[%dma_start3A, %dma_start3A_5] : memref<104x128xi32, #tpu.memory_space<vmem>> -> memref<1x128xi32, #tpu.memory_space<vmem>>
    %dma_start3A_7 = tpu.memref_squeeze %dma_start3A_6 : memref<1x128xi32, #tpu.memory_space<vmem>> -> memref<128xi32, #tpu.memory_space<vmem>>
    %dma_start3A_8 = arith.constant 0 : i32
    %dma_start3A_9 = arith.constant 0 : i32
    %dma_start3A_10 = tpu.memref_slice %arg2[%dma_start3A_8, %dma_start3A_9] : memref<5200000x64xf32, #tpu.memory_space<hbm>> -> memref<5200000x64xf32, #tpu.memory_space<hbm>>
    tpu.enqueue_indirect_dma source(%dma_start3A_10 : memref<5200000x64xf32, #tpu.memory_space<hbm>>) target(%arg8 : memref<128x64xf32, #tpu.memory_space<vmem>>) offsets(%dma_start3A_7 : memref<128xi32, #tpu.memory_space<vmem>>) semaphore(%arg10 : memref<!tpu.dma_semaphore, #tpu.memory_space<semaphore_mem>>)
    %scan3A = arith.constant 0 : i32
    %scan3A_11 = arith.constant 0 : i32
    %scan3A_12 = arith.constant 104 : i32
    %scan3A_13 = arith.addi %scan3A_11, %scan3A_12 : i32
    %scan3A_14 = arith.constant 1 : i32
    %scan3A_15 = scf.for %scan3A_30 = %scan3A_11 to %scan3A_13 step %scan3A_14 iter_args(%scan3A_31 = %scan3A) -> (i32)  : i32 {
      %rem3A = arith.constant 2 : i32
      %rem3A_32 = arith.remsi %scan3A_30, %rem3A : i32
      %eq3A = arith.constant 0 : i32
      %eq3A_33 = arith.cmpi eq, %rem3A_32, %eq3A : i32
      %add3A_34 = arith.constant 1 : i32
      %add3A_35 = arith.addi %scan3A_30, %add3A_34 : i32
      %lt3A = arith.constant 104 : i32
      %lt3A_36 = arith.cmpi slt, %add3A_35, %lt3A : i32
      %and3A = arith.andi %lt3A_36, %eq3A_33 : i1
      %convert_element_type3A = arith.extui %and3A : i1 to i32
      %cond3A = arith.constant 0 : i32
      %cond3A_37 = arith.cmpi ne, %convert_element_type3A, %cond3A : i32
      scf.if %cond3A_37 {
        %ge3A = arith.constant 1 : i32
        %ge3A_56 = arith.cmpi sge, %scan3A_30, %ge3A : i32
        %convert_element_type3A_57 = arith.extui %ge3A_56 : i1 to i32
        %cond3A_58 = arith.constant 0 : i32
        %cond3A_59 = arith.cmpi ne, %convert_element_type3A_57, %cond3A_58 : i32
        scf.if %cond3A_59 {
          %dma_wait3A_68 = arith.constant 0 : i32
          %dma_wait3A_69 = arith.constant 0 : i32
          %dma_wait3A_70 = tpu.memref_slice %arg7[%dma_wait3A_68, %dma_wait3A_69] : memref<104x128xi32, #tpu.memory_space<vmem>> -> memref<1x128xi32, #tpu.memory_space<vmem>>
          %dma_wait3A_71 = tpu.memref_squeeze %dma_wait3A_70 : memref<1x128xi32, #tpu.memory_space<vmem>> -> memref<128xi32, #tpu.memory_space<vmem>>
          %dma_wait3A_72 = arith.constant 0 : i32
          %dma_wait3A_73 = arith.constant 0 : i32
          %dma_wait3A_74 = tpu.memref_slice %arg5[%dma_wait3A_72, %dma_wait3A_73] : memref<425984x64xf32, #tpu.memory_space<hbm>> -> memref<425984x64xf32, #tpu.memory_space<hbm>>
          tpu.wait_indirect_dma semaphore(%arg13 : memref<!tpu.dma_semaphore, #tpu.memory_space<semaphore_mem>>) src(%arg9 : memref<128x64xf32, #tpu.memory_space<vmem>>) dst(%dma_wait3A_74 : memref<425984x64xf32, #tpu.memory_space<hbm>>)
        } else {
        }
        %add3A_60 = arith.constant 1 : i32
        %add3A_61 = arith.addi %scan3A_30, %add3A_60 : i32
        %dma_start3A_62 = arith.constant 0 : i32
        %dma_start3A_63 = tpu.memref_slice %arg6[%add3A_61, %dma_start3A_62] : memref<104x128xi32, #tpu.memory_space<vmem>> -> memref<1x128xi32, #tpu.memory_space<vmem>>
        %dma_start3A_64 = tpu.memref_squeeze %dma_start3A_63 : memref<1x128xi32, #tpu.memory_space<vmem>> -> memref<128xi32, #tpu.memory_space<vmem>>
        %dma_start3A_65 = arith.constant 0 : i32
        %dma_start3A_66 = arith.constant 0 : i32
        %dma_start3A_67 = tpu.memref_slice %arg2[%dma_start3A_65, %dma_start3A_66] : memref<5200000x64xf32, #tpu.memory_space<hbm>> -> memref<5200000x64xf32, #tpu.memory_space<hbm>>
        tpu.enqueue_indirect_dma source(%dma_start3A_67 : memref<5200000x64xf32, #tpu.memory_space<hbm>>) target(%arg9 : memref<128x64xf32, #tpu.memory_space<vmem>>) offsets(%dma_start3A_64 : memref<128xi32, #tpu.memory_space<vmem>>) semaphore(%arg11 : memref<!tpu.dma_semaphore, #tpu.memory_space<semaphore_mem>>)
      } else {
      }
      %add3A_38 = arith.constant 1 : i32
      %add3A_39 = arith.addi %scan3A_30, %add3A_38 : i32
      %lt3A_40 = arith.constant 104 : i32
      %lt3A_41 = arith.cmpi slt, %add3A_39, %lt3A_40 : i32
      %not3A = arith.constant true
      %not3A_42 = arith.xori %eq3A_33, %not3A : i1
      %and3A_43 = arith.andi %lt3A_41, %not3A_42 : i1
      %convert_element_type3A_44 = arith.extui %and3A_43 : i1 to i32
      %cond3A_45 = arith.constant 0 : i32
      %cond3A_46 = arith.cmpi ne, %convert_element_type3A_44, %cond3A_45 : i32
      scf.if %cond3A_46 {
        %dma_wait3A_56 = arith.constant 0 : i32
        %dma_wait3A_57 = arith.constant 0 : i32
        %dma_wait3A_58 = tpu.memref_slice %arg7[%dma_wait3A_56, %dma_wait3A_57] : memref<104x128xi32, #tpu.memory_space<vmem>> -> memref<1x128xi32, #tpu.memory_space<vmem>>
        %dma_wait3A_59 = tpu.memref_squeeze %dma_wait3A_58 : memref<1x128xi32, #tpu.memory_space<vmem>> -> memref<128xi32, #tpu.memory_space<vmem>>
        %dma_wait3A_60 = arith.constant 0 : i32
        %dma_wait3A_61 = arith.constant 0 : i32
        %dma_wait3A_62 = tpu.memref_slice %arg5[%dma_wait3A_60, %dma_wait3A_61] : memref<425984x64xf32, #tpu.memory_space<hbm>> -> memref<425984x64xf32, #tpu.memory_space<hbm>>
        tpu.wait_indirect_dma semaphore(%arg12 : memref<!tpu.dma_semaphore, #tpu.memory_space<semaphore_mem>>) src(%arg8 : memref<128x64xf32, #tpu.memory_space<vmem>>) dst(%dma_wait3A_62 : memref<425984x64xf32, #tpu.memory_space<hbm>>)
        %add3A_63 = arith.constant 1 : i32
        %add3A_64 = arith.addi %scan3A_30, %add3A_63 : i32
        %dma_start3A_65 = arith.constant 0 : i32
        %dma_start3A_66 = tpu.memref_slice %arg6[%add3A_64, %dma_start3A_65] : memref<104x128xi32, #tpu.memory_space<vmem>> -> memref<1x128xi32, #tpu.memory_space<vmem>>
        %dma_start3A_67 = tpu.memref_squeeze %dma_start3A_66 : memref<1x128xi32, #tpu.memory_space<vmem>> -> memref<128xi32, #tpu.memory_space<vmem>>
        %dma_start3A_68 = arith.constant 0 : i32
        %dma_start3A_69 = arith.constant 0 : i32
        %dma_start3A_70 = tpu.memref_slice %arg2[%dma_start3A_68, %dma_start3A_69] : memref<5200000x64xf32, #tpu.memory_space<hbm>> -> memref<5200000x64xf32, #tpu.memory_space<hbm>>
        tpu.enqueue_indirect_dma source(%dma_start3A_70 : memref<5200000x64xf32, #tpu.memory_space<hbm>>) target(%arg8 : memref<128x64xf32, #tpu.memory_space<vmem>>) offsets(%dma_start3A_67 : memref<128xi32, #tpu.memory_space<vmem>>) semaphore(%arg10 : memref<!tpu.dma_semaphore, #tpu.memory_space<semaphore_mem>>)
      } else {
      }
      %convert_element_type3A_47 = arith.extui %eq3A_33 : i1 to i32
      %cond3A_48 = arith.constant 0 : i32
      %cond3A_49 = arith.cmpi ne, %convert_element_type3A_47, %cond3A_48 : i32
      scf.if %cond3A_49 {
        %dma_wait3A_56 = arith.constant 0 : i32
        %dma_wait3A_57 = arith.constant 0 : i32
        %dma_wait3A_58 = tpu.memref_slice %arg6[%dma_wait3A_56, %dma_wait3A_57] : memref<104x128xi32, #tpu.memory_space<vmem>> -> memref<1x128xi32, #tpu.memory_space<vmem>>
        %dma_wait3A_59 = tpu.memref_squeeze %dma_wait3A_58 : memref<1x128xi32, #tpu.memory_space<vmem>> -> memref<128xi32, #tpu.memory_space<vmem>>
        %dma_wait3A_60 = arith.constant 0 : i32
        %dma_wait3A_61 = arith.constant 0 : i32
        %dma_wait3A_62 = tpu.memref_slice %arg2[%dma_wait3A_60, %dma_wait3A_61] : memref<5200000x64xf32, #tpu.memory_space<hbm>> -> memref<5200000x64xf32, #tpu.memory_space<hbm>>
        tpu.wait_indirect_dma semaphore(%arg10 : memref<!tpu.dma_semaphore, #tpu.memory_space<semaphore_mem>>) src(%dma_wait3A_62 : memref<5200000x64xf32, #tpu.memory_space<hbm>>) dst(%arg8 : memref<128x64xf32, #tpu.memory_space<vmem>>)
        %dma_start3A_63 = arith.constant 0 : i32
        %dma_start3A_64 = tpu.memref_slice %arg7[%scan3A_30, %dma_start3A_63] : memref<104x128xi32, #tpu.memory_space<vmem>> -> memref<1x128xi32, #tpu.memory_space<vmem>>
        %dma_start3A_65 = tpu.memref_squeeze %dma_start3A_64 : memref<1x128xi32, #tpu.memory_space<vmem>> -> memref<128xi32, #tpu.memory_space<vmem>>
        %dma_start3A_66 = arith.constant 0 : i32
        %dma_start3A_67 = arith.constant 0 : i32
        %dma_start3A_68 = tpu.memref_slice %arg5[%dma_start3A_66, %dma_start3A_67] : memref<425984x64xf32, #tpu.memory_space<hbm>> -> memref<425984x64xf32, #tpu.memory_space<hbm>>
        tpu.enqueue_indirect_dma source(%arg8 : memref<128x64xf32, #tpu.memory_space<vmem>>) target(%dma_start3A_68 : memref<425984x64xf32, #tpu.memory_space<hbm>>) offsets(%dma_start3A_65 : memref<128xi32, #tpu.memory_space<vmem>>) semaphore(%arg12 : memref<!tpu.dma_semaphore, #tpu.memory_space<semaphore_mem>>)
      } else {
      }
      %not3A_50 = arith.constant true
      %not3A_51 = arith.xori %eq3A_33, %not3A_50 : i1
      %convert_element_type3A_52 = arith.extui %not3A_51 : i1 to i32
      %cond3A_53 = arith.constant 0 : i32
      %cond3A_54 = arith.cmpi ne, %convert_element_type3A_52, %cond3A_53 : i32
      scf.if %cond3A_54 {
        %dma_wait3A_56 = arith.constant 0 : i32
        %dma_wait3A_57 = arith.constant 0 : i32
        %dma_wait3A_58 = tpu.memref_slice %arg6[%dma_wait3A_56, %dma_wait3A_57] : memref<104x128xi32, #tpu.memory_space<vmem>> -> memref<1x128xi32, #tpu.memory_space<vmem>>
        %dma_wait3A_59 = tpu.memref_squeeze %dma_wait3A_58 : memref<1x128xi32, #tpu.memory_space<vmem>> -> memref<128xi32, #tpu.memory_space<vmem>>
        %dma_wait3A_60 = arith.constant 0 : i32
        %dma_wait3A_61 = arith.constant 0 : i32
        %dma_wait3A_62 = tpu.memref_slice %arg2[%dma_wait3A_60, %dma_wait3A_61] : memref<5200000x64xf32, #tpu.memory_space<hbm>> -> memref<5200000x64xf32, #tpu.memory_space<hbm>>
        tpu.wait_indirect_dma semaphore(%arg11 : memref<!tpu.dma_semaphore, #tpu.memory_space<semaphore_mem>>) src(%dma_wait3A_62 : memref<5200000x64xf32, #tpu.memory_space<hbm>>) dst(%arg9 : memref<128x64xf32, #tpu.memory_space<vmem>>)
        %dma_start3A_63 = arith.constant 0 : i32
        %dma_start3A_64 = tpu.memref_slice %arg7[%scan3A_30, %dma_start3A_63] : memref<104x128xi32, #tpu.memory_space<vmem>> -> memref<1x128xi32, #tpu.memory_space<vmem>>
        %dma_start3A_65 = tpu.memref_squeeze %dma_start3A_64 : memref<1x128xi32, #tpu.memory_space<vmem>> -> memref<128xi32, #tpu.memory_space<vmem>>
        %dma_start3A_66 = arith.constant 0 : i32
        %dma_start3A_67 = arith.constant 0 : i32
        %dma_start3A_68 = tpu.memref_slice %arg5[%dma_start3A_66, %dma_start3A_67] : memref<425984x64xf32, #tpu.memory_space<hbm>> -> memref<425984x64xf32, #tpu.memory_space<hbm>>
        tpu.enqueue_indirect_dma source(%arg9 : memref<128x64xf32, #tpu.memory_space<vmem>>) target(%dma_start3A_68 : memref<425984x64xf32, #tpu.memory_space<hbm>>) offsets(%dma_start3A_65 : memref<128xi32, #tpu.memory_space<vmem>>) semaphore(%arg13 : memref<!tpu.dma_semaphore, #tpu.memory_space<semaphore_mem>>)
      } else {
      }
      %scan3A_55 = arith.constant 0 : i32
      scf.yield %scan3A_55 : i32
    }
    %scan3A_16 = arith.constant 104 : i32
    %dma_wait3A = arith.constant 0 : i32
    %dma_wait3A_17 = arith.constant 0 : i32
    %dma_wait3A_18 = tpu.memref_slice %arg7[%dma_wait3A, %dma_wait3A_17] : memref<104x128xi32, #tpu.memory_space<vmem>> -> memref<1x128xi32, #tpu.memory_space<vmem>>
    %dma_wait3A_19 = tpu.memref_squeeze %dma_wait3A_18 : memref<1x128xi32, #tpu.memory_space<vmem>> -> memref<128xi32, #tpu.memory_space<vmem>>
    %dma_wait3A_20 = arith.constant 0 : i32
    %dma_wait3A_21 = arith.constant 0 : i32
    %dma_wait3A_22 = tpu.memref_slice %arg5[%dma_wait3A_20, %dma_wait3A_21] : memref<425984x64xf32, #tpu.memory_space<hbm>> -> memref<425984x64xf32, #tpu.memory_space<hbm>>
    tpu.wait_indirect_dma semaphore(%arg12 : memref<!tpu.dma_semaphore, #tpu.memory_space<semaphore_mem>>) src(%arg8 : memref<128x64xf32, #tpu.memory_space<vmem>>) dst(%dma_wait3A_22 : memref<425984x64xf32, #tpu.memory_space<hbm>>)
    %dma_wait3A_23 = arith.constant 0 : i32
    %dma_wait3A_24 = arith.constant 0 : i32
    %dma_wait3A_25 = tpu.memref_slice %arg7[%dma_wait3A_23, %dma_wait3A_24] : memref<104x128xi32, #tpu.memory_space<vmem>> -> memref<1x128xi32, #tpu.memory_space<vmem>>
    %dma_wait3A_26 = tpu.memref_squeeze %dma_wait3A_25 : memref<1x128xi32, #tpu.memory_space<vmem>> -> memref<128xi32, #tpu.memory_space<vmem>>
    %dma_wait3A_27 = arith.constant 0 : i32
    %dma_wait3A_28 = arith.constant 0 : i32
    %dma_wait3A_29 = tpu.memref_slice %arg5[%dma_wait3A_27, %dma_wait3A_28] : memref<425984x64xf32, #tpu.memory_space<hbm>> -> memref<425984x64xf32, #tpu.memory_space<hbm>>
    tpu.wait_indirect_dma semaphore(%arg13 : memref<!tpu.dma_semaphore, #tpu.memory_space<semaphore_mem>>) src(%arg9 : memref<128x64xf32, #tpu.memory_space<vmem>>) dst(%dma_wait3A_29 : memref<425984x64xf32, #tpu.memory_space<hbm>>)
    return
  }
}

module attributes {stable_mosaic.version = 14 : i64} {
  func.func @_mlp1_body(%arg0: i32, %arg1: memref<13x512x128xf32, #tpu.memory_space<vmem>>, %arg2: memref<512x16xf32, #tpu.memory_space<vmem>>, %arg3: memref<13x128x128xf32, #tpu.memory_space<vmem>>, %arg4: memref<16x128xf32, #tpu.memory_space<vmem>>, %arg5: memref<1x128xf32, #tpu.memory_space<vmem>>, %arg6: memref<512x128xf32, #tpu.memory_space<vmem>>, %arg7: memref<8x128xf32, #tpu.memory_space<vmem>>, %arg8: memref<8x128xf32, #tpu.memory_space<vmem>>) attributes {dimension_semantics = [#tpu.dimension_semantics<arbitrary>], iteration_bounds = array<i64: 32>, scalar_prefetch = 0 : i64, scratch_operands = 1 : i64, tpu.core_type = #tpu.core_type<tc>, window_params = [{transform_indices = @transform_0, window_bounds = array<i64: 13, 512, 128>}, {transform_indices = @transform_1, window_bounds = array<i64: 512, 16>}, {pipeline_mode = #tpu.pipeline_mode<synchronous>, transform_indices = @transform_2, window_bounds = array<i64: 13, 128, 128>}, {pipeline_mode = #tpu.pipeline_mode<synchronous>, transform_indices = @transform_3, window_bounds = array<i64: 16, 128>}, {pipeline_mode = #tpu.pipeline_mode<synchronous>, transform_indices = @transform_4, window_bounds = array<i64: 1, 128>}, {transform_indices = @transform_5, window_bounds = array<i64: 512, 128>}, {pipeline_mode = #tpu.pipeline_mode<synchronous>, transform_indices = @transform_6, window_bounds = array<i64: 8, 128>}]} {
    %eq3A = arith.constant 0 : i32
    %eq3A_0 = arith.cmpi eq, %arg0, %eq3A : i32
    %convert_element_type3A = arith.extui %eq3A_0 : i1 to i32
    %cond3A = arith.constant 0 : i32
    %cond3A_1 = arith.cmpi ne, %convert_element_type3A, %cond3A : i32
    scf.if %cond3A_1 {
      %broadcast_in_dim3A_208 = arith.constant 0.000000e+00 : f32
      %broadcast_in_dim3A_209 = vector.broadcast %broadcast_in_dim3A_208 : f32 to vector<8x128xf32>
      %swap3A_210 = arith.constant 0 : index
      %swap3A_211 = arith.constant 0 : index
      %swap3A_212 = vector.load %arg8[%swap3A_210, %swap3A_211] : memref<8x128xf32, #tpu.memory_space<vmem>>, vector<8x128xf32>
      tpu.vector_store %arg8[%swap3A_210, %swap3A_211], %broadcast_in_dim3A_209 {strides = array<i32>} : memref<8x128xf32, #tpu.memory_space<vmem>>, vector<8x128xf32>,
    } else {
    }
    %get3A = arith.constant 0 : index
    %get3A_2 = arith.constant 0 : index
    %get3A_3 = vector.load %arg2[%get3A, %get3A_2] : memref<512x16xf32, #tpu.memory_space<vmem>>, vector<512x16xf32>
    %get3A_4 = arith.constant 0 : index
    %get3A_5 = arith.constant 0 : index
    %get3A_6 = vector.load %arg4[%get3A_4, %get3A_5] : memref<16x128xf32, #tpu.memory_space<vmem>>, vector<16x128xf32>
    %dot_general3A = arith.constant dense<0.000000e+00> : vector<512x128xf32>
    %dot_general3A_7 = tpu.matmul %get3A_3, %get3A_6, %dot_general3A {dimension_numbers = #tpu.dot_dimension_numbers<[1], [0], [0], [1], [0, 0, 1, 1], [], []>, transpose_lhs_hint = false} : vector<512x16xf32>, vector<16x128xf32>, vector<512x128xf32> -> vector<512x128xf32>
    %get3A_8 = arith.constant 0 : index
    %get3A_9 = arith.constant 0 : index
    %get3A_10 = arith.constant 0 : index
    %get3A_11 = vector.load %arg1[%get3A_8, %get3A_9, %get3A_10] : memref<13x512x128xf32, #tpu.memory_space<vmem>>, vector<1x512x128xf32>
    %get3A_12 = vector.shape_cast %get3A_11 : vector<1x512x128xf32> to vector<512x128xf32>
    %get3A_13 = arith.constant 0 : index
    %get3A_14 = arith.constant 0 : index
    %get3A_15 = arith.constant 0 : index
    %get3A_16 = vector.load %arg3[%get3A_13, %get3A_14, %get3A_15] : memref<13x128x128xf32, #tpu.memory_space<vmem>>, vector<1x128x128xf32>
    %get3A_17 = vector.shape_cast %get3A_16 : vector<1x128x128xf32> to vector<128x128xf32>
    %dot_general3A_18 = arith.constant dense<0.000000e+00> : vector<512x128xf32>
    %dot_general3A_19 = tpu.matmul %get3A_12, %get3A_17, %dot_general3A_18 {dimension_numbers = #tpu.dot_dimension_numbers<[1], [0], [0], [1], [0, 0, 1, 1], [], []>, transpose_lhs_hint = false} : vector<512x128xf32>, vector<128x128xf32>, vector<512x128xf32> -> vector<512x128xf32>
    %add3A = arith.addf %dot_general3A_7, %dot_general3A_19 : vector<512x128xf32>
    %get3A_20 = arith.constant 1 : index
    %get3A_21 = arith.constant 0 : index
    %get3A_22 = arith.constant 0 : index
    %get3A_23 = vector.load %arg1[%get3A_20, %get3A_21, %get3A_22] : memref<13x512x128xf32, #tpu.memory_space<vmem>>, vector<1x512x128xf32>
    %get3A_24 = vector.shape_cast %get3A_23 : vector<1x512x128xf32> to vector<512x128xf32>
    %get3A_25 = arith.constant 1 : index
    %get3A_26 = arith.constant 0 : index
    %get3A_27 = arith.constant 0 : index
    %get3A_28 = vector.load %arg3[%get3A_25, %get3A_26, %get3A_27] : memref<13x128x128xf32, #tpu.memory_space<vmem>>, vector<1x128x128xf32>
    %get3A_29 = vector.shape_cast %get3A_28 : vector<1x128x128xf32> to vector<128x128xf32>
    %dot_general3A_30 = arith.constant dense<0.000000e+00> : vector<512x128xf32>
    %dot_general3A_31 = tpu.matmul %get3A_24, %get3A_29, %dot_general3A_30 {dimension_numbers = #tpu.dot_dimension_numbers<[1], [0], [0], [1], [0, 0, 1, 1], [], []>, transpose_lhs_hint = false} : vector<512x128xf32>, vector<128x128xf32>, vector<512x128xf32> -> vector<512x128xf32>
    %add3A_32 = arith.addf %add3A, %dot_general3A_31 : vector<512x128xf32>
    %get3A_33 = arith.constant 2 : index
    %get3A_34 = arith.constant 0 : index
    %get3A_35 = arith.constant 0 : index
    %get3A_36 = vector.load %arg1[%get3A_33, %get3A_34, %get3A_35] : memref<13x512x128xf32, #tpu.memory_space<vmem>>, vector<1x512x128xf32>
    %get3A_37 = vector.shape_cast %get3A_36 : vector<1x512x128xf32> to vector<512x128xf32>
    %get3A_38 = arith.constant 2 : index
    %get3A_39 = arith.constant 0 : index
    %get3A_40 = arith.constant 0 : index
    %get3A_41 = vector.load %arg3[%get3A_38, %get3A_39, %get3A_40] : memref<13x128x128xf32, #tpu.memory_space<vmem>>, vector<1x128x128xf32>
    %get3A_42 = vector.shape_cast %get3A_41 : vector<1x128x128xf32> to vector<128x128xf32>
    %dot_general3A_43 = arith.constant dense<0.000000e+00> : vector<512x128xf32>
    %dot_general3A_44 = tpu.matmul %get3A_37, %get3A_42, %dot_general3A_43 {dimension_numbers = #tpu.dot_dimension_numbers<[1], [0], [0], [1], [0, 0, 1, 1], [], []>, transpose_lhs_hint = false} : vector<512x128xf32>, vector<128x128xf32>, vector<512x128xf32> -> vector<512x128xf32>
    %add3A_45 = arith.addf %add3A_32, %dot_general3A_44 : vector<512x128xf32>
    %get3A_46 = arith.constant 3 : index
    %get3A_47 = arith.constant 0 : index
    %get3A_48 = arith.constant 0 : index
    %get3A_49 = vector.load %arg1[%get3A_46, %get3A_47, %get3A_48] : memref<13x512x128xf32, #tpu.memory_space<vmem>>, vector<1x512x128xf32>
    %get3A_50 = vector.shape_cast %get3A_49 : vector<1x512x128xf32> to vector<512x128xf32>
    %get3A_51 = arith.constant 3 : index
    %get3A_52 = arith.constant 0 : index
    %get3A_53 = arith.constant 0 : index
    %get3A_54 = vector.load %arg3[%get3A_51, %get3A_52, %get3A_53] : memref<13x128x128xf32, #tpu.memory_space<vmem>>, vector<1x128x128xf32>
    %get3A_55 = vector.shape_cast %get3A_54 : vector<1x128x128xf32> to vector<128x128xf32>
    %dot_general3A_56 = arith.constant dense<0.000000e+00> : vector<512x128xf32>
    %dot_general3A_57 = tpu.matmul %get3A_50, %get3A_55, %dot_general3A_56 {dimension_numbers = #tpu.dot_dimension_numbers<[1], [0], [0], [1], [0, 0, 1, 1], [], []>, transpose_lhs_hint = false} : vector<512x128xf32>, vector<128x128xf32>, vector<512x128xf32> -> vector<512x128xf32>
    %add3A_58 = arith.addf %add3A_45, %dot_general3A_57 : vector<512x128xf32>
    %get3A_59 = arith.constant 4 : index
    %get3A_60 = arith.constant 0 : index
    %get3A_61 = arith.constant 0 : index
    %get3A_62 = vector.load %arg1[%get3A_59, %get3A_60, %get3A_61] : memref<13x512x128xf32, #tpu.memory_space<vmem>>, vector<1x512x128xf32>
    %get3A_63 = vector.shape_cast %get3A_62 : vector<1x512x128xf32> to vector<512x128xf32>
    %get3A_64 = arith.constant 4 : index
    %get3A_65 = arith.constant 0 : index
    %get3A_66 = arith.constant 0 : index
    %get3A_67 = vector.load %arg3[%get3A_64, %get3A_65, %get3A_66] : memref<13x128x128xf32, #tpu.memory_space<vmem>>, vector<1x128x128xf32>
    %get3A_68 = vector.shape_cast %get3A_67 : vector<1x128x128xf32> to vector<128x128xf32>
    %dot_general3A_69 = arith.constant dense<0.000000e+00> : vector<512x128xf32>
    %dot_general3A_70 = tpu.matmul %get3A_63, %get3A_68, %dot_general3A_69 {dimension_numbers = #tpu.dot_dimension_numbers<[1], [0], [0], [1], [0, 0, 1, 1], [], []>, transpose_lhs_hint = false} : vector<512x128xf32>, vector<128x128xf32>, vector<512x128xf32> -> vector<512x128xf32>
    %add3A_71 = arith.addf %add3A_58, %dot_general3A_70 : vector<512x128xf32>
    %get3A_72 = arith.constant 5 : index
    %get3A_73 = arith.constant 0 : index
    %get3A_74 = arith.constant 0 : index
    %get3A_75 = vector.load %arg1[%get3A_72, %get3A_73, %get3A_74] : memref<13x512x128xf32, #tpu.memory_space<vmem>>, vector<1x512x128xf32>
    %get3A_76 = vector.shape_cast %get3A_75 : vector<1x512x128xf32> to vector<512x128xf32>
    %get3A_77 = arith.constant 5 : index
    %get3A_78 = arith.constant 0 : index
    %get3A_79 = arith.constant 0 : index
    %get3A_80 = vector.load %arg3[%get3A_77, %get3A_78, %get3A_79] : memref<13x128x128xf32, #tpu.memory_space<vmem>>, vector<1x128x128xf32>
    %get3A_81 = vector.shape_cast %get3A_80 : vector<1x128x128xf32> to vector<128x128xf32>
    %dot_general3A_82 = arith.constant dense<0.000000e+00> : vector<512x128xf32>
    %dot_general3A_83 = tpu.matmul %get3A_76, %get3A_81, %dot_general3A_82 {dimension_numbers = #tpu.dot_dimension_numbers<[1], [0], [0], [1], [0, 0, 1, 1], [], []>, transpose_lhs_hint = false} : vector<512x128xf32>, vector<128x128xf32>, vector<512x128xf32> -> vector<512x128xf32>
    %add3A_84 = arith.addf %add3A_71, %dot_general3A_83 : vector<512x128xf32>
    %get3A_85 = arith.constant 6 : index
    %get3A_86 = arith.constant 0 : index
    %get3A_87 = arith.constant 0 : index
    %get3A_88 = vector.load %arg1[%get3A_85, %get3A_86, %get3A_87] : memref<13x512x128xf32, #tpu.memory_space<vmem>>, vector<1x512x128xf32>
    %get3A_89 = vector.shape_cast %get3A_88 : vector<1x512x128xf32> to vector<512x128xf32>
    %get3A_90 = arith.constant 6 : index
    %get3A_91 = arith.constant 0 : index
    %get3A_92 = arith.constant 0 : index
    %get3A_93 = vector.load %arg3[%get3A_90, %get3A_91, %get3A_92] : memref<13x128x128xf32, #tpu.memory_space<vmem>>, vector<1x128x128xf32>
    %get3A_94 = vector.shape_cast %get3A_93 : vector<1x128x128xf32> to vector<128x128xf32>
    %dot_general3A_95 = arith.constant dense<0.000000e+00> : vector<512x128xf32>
    %dot_general3A_96 = tpu.matmul %get3A_89, %get3A_94, %dot_general3A_95 {dimension_numbers = #tpu.dot_dimension_numbers<[1], [0], [0], [1], [0, 0, 1, 1], [], []>, transpose_lhs_hint = false} : vector<512x128xf32>, vector<128x128xf32>, vector<512x128xf32> -> vector<512x128xf32>
    %add3A_97 = arith.addf %add3A_84, %dot_general3A_96 : vector<512x128xf32>
    %get3A_98 = arith.constant 7 : index
    %get3A_99 = arith.constant 0 : index
    %get3A_100 = arith.constant 0 : index
    %get3A_101 = vector.load %arg1[%get3A_98, %get3A_99, %get3A_100] : memref<13x512x128xf32, #tpu.memory_space<vmem>>, vector<1x512x128xf32>
    %get3A_102 = vector.shape_cast %get3A_101 : vector<1x512x128xf32> to vector<512x128xf32>
    %get3A_103 = arith.constant 7 : index
    %get3A_104 = arith.constant 0 : index
    %get3A_105 = arith.constant 0 : index
    %get3A_106 = vector.load %arg3[%get3A_103, %get3A_104, %get3A_105] : memref<13x128x128xf32, #tpu.memory_space<vmem>>, vector<1x128x128xf32>
    %get3A_107 = vector.shape_cast %get3A_106 : vector<1x128x128xf32> to vector<128x128xf32>
    %dot_general3A_108 = arith.constant dense<0.000000e+00> : vector<512x128xf32>
    %dot_general3A_109 = tpu.matmul %get3A_102, %get3A_107, %dot_general3A_108 {dimension_numbers = #tpu.dot_dimension_numbers<[1], [0], [0], [1], [0, 0, 1, 1], [], []>, transpose_lhs_hint = false} : vector<512x128xf32>, vector<128x128xf32>, vector<512x128xf32> -> vector<512x128xf32>
    %add3A_110 = arith.addf %add3A_97, %dot_general3A_109 : vector<512x128xf32>
    %get3A_111 = arith.constant 8 : index
    %get3A_112 = arith.constant 0 : index
    %get3A_113 = arith.constant 0 : index
    %get3A_114 = vector.load %arg1[%get3A_111, %get3A_112, %get3A_113] : memref<13x512x128xf32, #tpu.memory_space<vmem>>, vector<1x512x128xf32>
    %get3A_115 = vector.shape_cast %get3A_114 : vector<1x512x128xf32> to vector<512x128xf32>
    %get3A_116 = arith.constant 8 : index
    %get3A_117 = arith.constant 0 : index
    %get3A_118 = arith.constant 0 : index
    %get3A_119 = vector.load %arg3[%get3A_116, %get3A_117, %get3A_118] : memref<13x128x128xf32, #tpu.memory_space<vmem>>, vector<1x128x128xf32>
    %get3A_120 = vector.shape_cast %get3A_119 : vector<1x128x128xf32> to vector<128x128xf32>
    %dot_general3A_121 = arith.constant dense<0.000000e+00> : vector<512x128xf32>
    %dot_general3A_122 = tpu.matmul %get3A_115, %get3A_120, %dot_general3A_121 {dimension_numbers = #tpu.dot_dimension_numbers<[1], [0], [0], [1], [0, 0, 1, 1], [], []>, transpose_lhs_hint = false} : vector<512x128xf32>, vector<128x128xf32>, vector<512x128xf32> -> vector<512x128xf32>
    %add3A_123 = arith.addf %add3A_110, %dot_general3A_122 : vector<512x128xf32>
    %get3A_124 = arith.constant 9 : index
    %get3A_125 = arith.constant 0 : index
    %get3A_126 = arith.constant 0 : index
    %get3A_127 = vector.load %arg1[%get3A_124, %get3A_125, %get3A_126] : memref<13x512x128xf32, #tpu.memory_space<vmem>>, vector<1x512x128xf32>
    %get3A_128 = vector.shape_cast %get3A_127 : vector<1x512x128xf32> to vector<512x128xf32>
    %get3A_129 = arith.constant 9 : index
    %get3A_130 = arith.constant 0 : index
    %get3A_131 = arith.constant 0 : index
    %get3A_132 = vector.load %arg3[%get3A_129, %get3A_130, %get3A_131] : memref<13x128x128xf32, #tpu.memory_space<vmem>>, vector<1x128x128xf32>
    %get3A_133 = vector.shape_cast %get3A_132 : vector<1x128x128xf32> to vector<128x128xf32>
    %dot_general3A_134 = arith.constant dense<0.000000e+00> : vector<512x128xf32>
    %dot_general3A_135 = tpu.matmul %get3A_128, %get3A_133, %dot_general3A_134 {dimension_numbers = #tpu.dot_dimension_numbers<[1], [0], [0], [1], [0, 0, 1, 1], [], []>, transpose_lhs_hint = false} : vector<512x128xf32>, vector<128x128xf32>, vector<512x128xf32> -> vector<512x128xf32>
    %add3A_136 = arith.addf %add3A_123, %dot_general3A_135 : vector<512x128xf32>
    %get3A_137 = arith.constant 10 : index
    %get3A_138 = arith.constant 0 : index
    %get3A_139 = arith.constant 0 : index
    %get3A_140 = vector.load %arg1[%get3A_137, %get3A_138, %get3A_139] : memref<13x512x128xf32, #tpu.memory_space<vmem>>, vector<1x512x128xf32>
    %get3A_141 = vector.shape_cast %get3A_140 : vector<1x512x128xf32> to vector<512x128xf32>
    %get3A_142 = arith.constant 10 : index
    %get3A_143 = arith.constant 0 : index
    %get3A_144 = arith.constant 0 : index
    %get3A_145 = vector.load %arg3[%get3A_142, %get3A_143, %get3A_144] : memref<13x128x128xf32, #tpu.memory_space<vmem>>, vector<1x128x128xf32>
    %get3A_146 = vector.shape_cast %get3A_145 : vector<1x128x128xf32> to vector<128x128xf32>
    %dot_general3A_147 = arith.constant dense<0.000000e+00> : vector<512x128xf32>
    %dot_general3A_148 = tpu.matmul %get3A_141, %get3A_146, %dot_general3A_147 {dimension_numbers = #tpu.dot_dimension_numbers<[1], [0], [0], [1], [0, 0, 1, 1], [], []>, transpose_lhs_hint = false} : vector<512x128xf32>, vector<128x128xf32>, vector<512x128xf32> -> vector<512x128xf32>
    %add3A_149 = arith.addf %add3A_136, %dot_general3A_148 : vector<512x128xf32>
    %get3A_150 = arith.constant 11 : index
    %get3A_151 = arith.constant 0 : index
    %get3A_152 = arith.constant 0 : index
    %get3A_153 = vector.load %arg1[%get3A_150, %get3A_151, %get3A_152] : memref<13x512x128xf32, #tpu.memory_space<vmem>>, vector<1x512x128xf32>
    %get3A_154 = vector.shape_cast %get3A_153 : vector<1x512x128xf32> to vector<512x128xf32>
    %get3A_155 = arith.constant 11 : index
    %get3A_156 = arith.constant 0 : index
    %get3A_157 = arith.constant 0 : index
    %get3A_158 = vector.load %arg3[%get3A_155, %get3A_156, %get3A_157] : memref<13x128x128xf32, #tpu.memory_space<vmem>>, vector<1x128x128xf32>
    %get3A_159 = vector.shape_cast %get3A_158 : vector<1x128x128xf32> to vector<128x128xf32>
    %dot_general3A_160 = arith.constant dense<0.000000e+00> : vector<512x128xf32>
    %dot_general3A_161 = tpu.matmul %get3A_154, %get3A_159, %dot_general3A_160 {dimension_numbers = #tpu.dot_dimension_numbers<[1], [0], [0], [1], [0, 0, 1, 1], [], []>, transpose_lhs_hint = false} : vector<512x128xf32>, vector<128x128xf32>, vector<512x128xf32> -> vector<512x128xf32>
    %add3A_162 = arith.addf %add3A_149, %dot_general3A_161 : vector<512x128xf32>
    %get3A_163 = arith.constant 12 : index
    %get3A_164 = arith.constant 0 : index
    %get3A_165 = arith.constant 0 : index
    %get3A_166 = vector.load %arg1[%get3A_163, %get3A_164, %get3A_165] : memref<13x512x128xf32, #tpu.memory_space<vmem>>, vector<1x512x128xf32>
    %get3A_167 = vector.shape_cast %get3A_166 : vector<1x512x128xf32> to vector<512x128xf32>
    %get3A_168 = arith.constant 12 : index
    %get3A_169 = arith.constant 0 : index
    %get3A_170 = arith.constant 0 : index
    %get3A_171 = vector.load %arg3[%get3A_168, %get3A_169, %get3A_170] : memref<13x128x128xf32, #tpu.memory_space<vmem>>, vector<1x128x128xf32>
    %get3A_172 = vector.shape_cast %get3A_171 : vector<1x128x128xf32> to vector<128x128xf32>
    %dot_general3A_173 = arith.constant dense<0.000000e+00> : vector<512x128xf32>
    %dot_general3A_174 = tpu.matmul %get3A_167, %get3A_172, %dot_general3A_173 {dimension_numbers = #tpu.dot_dimension_numbers<[1], [0], [0], [1], [0, 0, 1, 1], [], []>, transpose_lhs_hint = false} : vector<512x128xf32>, vector<128x128xf32>, vector<512x128xf32> -> vector<512x128xf32>
    %add3A_175 = arith.addf %add3A_162, %dot_general3A_174 : vector<512x128xf32>
    %get3A_176 = arith.constant 0 : index
    %get3A_177 = arith.constant 0 : index
    %get3A_178 = vector.load %arg5[%get3A_176, %get3A_177] : memref<1x128xf32, #tpu.memory_space<vmem>>, vector<1x128xf32>
    %add3A_179 = vector.broadcast %get3A_178 : vector<1x128xf32> to vector<512x128xf32>
    %add3A_180 = arith.addf %add3A_175, %add3A_179 : vector<512x128xf32>
    %max3A = arith.constant 0.000000e+00 : f32
    %max3A_181 = vector.broadcast %max3A : f32 to vector<512x128xf32>
    %max3A_182 = arith.maximumf %add3A_180, %max3A_181 : vector<512x128xf32>
    %swap3A = arith.constant 0 : index
    %swap3A_183 = arith.constant 0 : index
    %swap3A_184 = vector.load %arg6[%swap3A, %swap3A_183] : memref<512x128xf32, #tpu.memory_space<vmem>>, vector<512x128xf32>
    tpu.vector_store %arg6[%swap3A, %swap3A_183], %max3A_182 {strides = array<i32>} : memref<512x128xf32, #tpu.memory_space<vmem>>, vector<512x128xf32>,
    %get3A_185 = arith.constant 0 : index
    %get3A_186 = arith.constant 0 : index
    %get3A_187 = vector.load %arg8[%get3A_185, %get3A_186] : memref<8x128xf32, #tpu.memory_space<vmem>>, vector<1x128xf32>
    %reduce_sum3A = arith.constant dense<0.000000e+00> : vector<128xf32>
    %reduce_sum3A_188 = vector.multi_reduction <add>, %max3A_182, %reduce_sum3A [0] : vector<512x128xf32> to vector<128xf32>
    %broadcast_in_dim3A = vector.shape_cast %reduce_sum3A_188 : vector<128xf32> to vector<1x128xf32>
    %add3A_189 = arith.addf %get3A_187, %broadcast_in_dim3A : vector<1x128xf32>
    %swap3A_190 = arith.constant 0 : index
    %swap3A_191 = arith.constant 0 : index
    %swap3A_192 = vector.load %arg8[%swap3A_190, %swap3A_191] : memref<8x128xf32, #tpu.memory_space<vmem>>, vector<1x128xf32>
    tpu.vector_store %arg8[%swap3A_190, %swap3A_191], %add3A_189 {strides = array<i32>} : memref<8x128xf32, #tpu.memory_space<vmem>>, vector<1x128xf32>,
    %get3A_193 = arith.constant 1 : index
    %get3A_194 = arith.constant 0 : index
    %get3A_195 = vector.load %arg8[%get3A_193, %get3A_194] : memref<8x128xf32, #tpu.memory_space<vmem>>, vector<1x128xf32>
    %mul3A = arith.mulf %max3A_182, %max3A_182 : vector<512x128xf32>
    %reduce_sum3A_196 = arith.constant dense<0.000000e+00> : vector<128xf32>
    %reduce_sum3A_197 = vector.multi_reduction <add>, %mul3A, %reduce_sum3A_196 [0] : vector<512x128xf32> to vector<128xf32>
    %broadcast_in_dim3A_198 = vector.shape_cast %reduce_sum3A_197 : vector<128xf32> to vector<1x128xf32>
    %add3A_199 = arith.addf %get3A_195, %broadcast_in_dim3A_198 : vector<1x128xf32>
    %swap3A_200 = arith.constant 1 : index
    %swap3A_201 = arith.constant 0 : index
    %swap3A_202 = vector.load %arg8[%swap3A_200, %swap3A_201] : memref<8x128xf32, #tpu.memory_space<vmem>>, vector<1x128xf32>
    tpu.vector_store %arg8[%swap3A_200, %swap3A_201], %add3A_199 {strides = array<i32>} : memref<8x128xf32, #tpu.memory_space<vmem>>, vector<1x128xf32>,
    %eq3A_203 = arith.constant 31 : i32
    %eq3A_204 = arith.cmpi eq, %arg0, %eq3A_203 : i32
    %convert_element_type3A_205 = arith.extui %eq3A_204 : i1 to i32
    %cond3A_206 = arith.constant 0 : i32
    %cond3A_207 = arith.cmpi ne, %convert_element_type3A_205, %cond3A_206 : i32
    scf.if %cond3A_207 {
      %get3A_208 = arith.constant 0 : index
      %get3A_209 = arith.constant 0 : index
      %get3A_210 = vector.load %arg8[%get3A_208, %get3A_209] : memref<8x128xf32, #tpu.memory_space<vmem>>, vector<8x128xf32>
      %swap3A_211 = arith.constant 0 : index
      %swap3A_212 = arith.constant 0 : index
      %swap3A_213 = vector.load %arg7[%swap3A_211, %swap3A_212] : memref<8x128xf32, #tpu.memory_space<vmem>>, vector<8x128xf32>
      tpu.vector_store %arg7[%swap3A_211, %swap3A_212], %get3A_210 {strides = array<i32>} : memref<8x128xf32, #tpu.memory_space<vmem>>, vector<8x128xf32>,
    } else {
    }
    return
  }
  func.func @transform_0(%arg0: i32) -> (i32, i32, i32) {
    %c0_i32 = arith.constant 0 : i32
    %c0_i32_0 = arith.constant 0 : i32
    %c0_i32_1 = arith.constant 0 : i32
    return %c0_i32, %arg0, %c0_i32_0 : i32, i32, i32
  }
  func.func @transform_1(%arg0: i32) -> (i32, i32) {
    %c0_i32 = arith.constant 0 : i32
    %c0_i32_0 = arith.constant 0 : i32
    return %arg0, %c0_i32 : i32, i32
  }
  func.func @transform_2(%arg0: i32) -> (i32, i32, i32) {
    %c0_i32 = arith.constant 0 : i32
    %c0_i32_0 = arith.constant 0 : i32
    %c0_i32_1 = arith.constant 0 : i32
    %c0_i32_2 = arith.constant 0 : i32
    return %c0_i32, %c0_i32_0, %c0_i32_1 : i32, i32, i32
  }
  func.func @transform_3(%arg0: i32) -> (i32, i32) {
    %c0_i32 = arith.constant 0 : i32
    %c0_i32_0 = arith.constant 0 : i32
    %c0_i32_1 = arith.constant 0 : i32
    return %c0_i32, %c0_i32_0 : i32, i32
  }
  func.func @transform_4(%arg0: i32) -> (i32, i32) {
    %c0_i32 = arith.constant 0 : i32
    %c0_i32_0 = arith.constant 0 : i32
    %c0_i32_1 = arith.constant 0 : i32
    return %c0_i32, %c0_i32_0 : i32, i32
  }
  func.func @transform_5(%arg0: i32) -> (i32, i32) {
    %c0_i32 = arith.constant 0 : i32
    %c0_i32_0 = arith.constant 0 : i32
    return %arg0, %c0_i32 : i32, i32
  }
  func.func @transform_6(%arg0: i32) -> (i32, i32) {
    %c0_i32 = arith.constant 0 : i32
    %c0_i32_0 = arith.constant 0 : i32
    %c0_i32_1 = arith.constant 0 : i32
    return %c0_i32, %c0_i32_0 : i32, i32
  }
}

module attributes {stable_mosaic.version = 14 : i64} {
  func.func @_mlp2a_body(%arg0: i32, %arg1: memref<512x128xf32, #tpu.memory_space<vmem>>, %arg2: memref<8x128xf32, #tpu.memory_space<vmem>>, %arg3: memref<1x128xf32, #tpu.memory_space<vmem>>, %arg4: memref<1x128xf32, #tpu.memory_space<vmem>>, %arg5: memref<128x64xf32, #tpu.memory_space<vmem>>, %arg6: memref<1x64xf32, #tpu.memory_space<vmem>>, %arg7: memref<512x64xf32, #tpu.memory_space<vmem>>, %arg8: memref<8x64xf32, #tpu.memory_space<vmem>>, %arg9: memref<8x64xf32, #tpu.memory_space<vmem>>) attributes {dimension_semantics = [#tpu.dimension_semantics<arbitrary>], iteration_bounds = array<i64: 32>, scalar_prefetch = 0 : i64, scratch_operands = 1 : i64, tpu.core_type = #tpu.core_type<tc>, window_params = [{transform_indices = @transform_0, window_bounds = array<i64: 512, 128>}, {pipeline_mode = #tpu.pipeline_mode<synchronous>, transform_indices = @transform_1, window_bounds = array<i64: 8, 128>}, {pipeline_mode = #tpu.pipeline_mode<synchronous>, transform_indices = @transform_2, window_bounds = array<i64: 1, 128>}, {pipeline_mode = #tpu.pipeline_mode<synchronous>, transform_indices = @transform_3, window_bounds = array<i64: 1, 128>}, {pipeline_mode = #tpu.pipeline_mode<synchronous>, transform_indices = @transform_4, window_bounds = array<i64: 128, 64>}, {pipeline_mode = #tpu.pipeline_mode<synchronous>, transform_indices = @transform_5, window_bounds = array<i64: 1, 64>}, {transform_indices = @transform_6, window_bounds = array<i64: 512, 64>}, {pipeline_mode = #tpu.pipeline_mode<synchronous>, transform_indices = @transform_7, window_bounds = array<i64: 8, 64>}]} {
    %eq3A = arith.constant 0 : i32
    %eq3A_0 = arith.cmpi eq, %arg0, %eq3A : i32
    %convert_element_type3A = arith.extui %eq3A_0 : i1 to i32
    %cond3A = arith.constant 0 : i32
    %cond3A_1 = arith.cmpi ne, %convert_element_type3A, %cond3A : i32
    scf.if %cond3A_1 {
      %broadcast_in_dim3A_67 = arith.constant 0.000000e+00 : f32
      %broadcast_in_dim3A_68 = vector.broadcast %broadcast_in_dim3A_67 : f32 to vector<8x64xf32>
      %swap3A_69 = arith.constant 0 : index
      %swap3A_70 = arith.constant 0 : index
      %swap3A_71 = vector.load %arg9[%swap3A_69, %swap3A_70] : memref<8x64xf32, #tpu.memory_space<vmem>>, vector<8x64xf32>
      tpu.vector_store %arg9[%swap3A_69, %swap3A_70], %broadcast_in_dim3A_68 {strides = array<i32>} : memref<8x64xf32, #tpu.memory_space<vmem>>, vector<8x64xf32>,
    } else {
    }
    %get3A = arith.constant 0 : index
    %get3A_2 = arith.constant 0 : index
    %get3A_3 = vector.load %arg2[%get3A, %get3A_2] : memref<8x128xf32, #tpu.memory_space<vmem>>, vector<8x128xf32>
    %slice3A = vector.extract_strided_slice %get3A_3 {offsets = [0, 0], sizes = [1, 128], strides = [1, 1]} : vector<8x128xf32> to vector<1x128xf32>
    %mul3A = arith.constant 6.10351563E-5 : f32
    %mul3A_4 = vector.broadcast %mul3A : f32 to vector<1x128xf32>
    %mul3A_5 = arith.mulf %slice3A, %mul3A_4 : vector<1x128xf32>
    %slice3A_6 = vector.extract_strided_slice %get3A_3 {offsets = [1, 0], sizes = [1, 128], strides = [1, 1]} : vector<8x128xf32> to vector<1x128xf32>
    %mul3A_7 = arith.constant 6.10351563E-5 : f32
    %mul3A_8 = vector.broadcast %mul3A_7 : f32 to vector<1x128xf32>
    %mul3A_9 = arith.mulf %slice3A_6, %mul3A_8 : vector<1x128xf32>
    %mul3A_10 = arith.mulf %mul3A_5, %mul3A_5 : vector<1x128xf32>
    %sub3A = arith.subf %mul3A_9, %mul3A_10 : vector<1x128xf32>
    %get3A_11 = arith.constant 0 : index
    %get3A_12 = arith.constant 0 : index
    %get3A_13 = vector.load %arg1[%get3A_11, %get3A_12] : memref<512x128xf32, #tpu.memory_space<vmem>>, vector<512x128xf32>
    %sub3A_14 = vector.broadcast %mul3A_5 : vector<1x128xf32> to vector<512x128xf32>
    %sub3A_15 = arith.subf %get3A_13, %sub3A_14 : vector<512x128xf32>
    %add3A = arith.constant 9.99999974E-6 : f32
    %add3A_16 = vector.broadcast %add3A : f32 to vector<1x128xf32>
    %add3A_17 = arith.addf %sub3A, %add3A_16 : vector<1x128xf32>
    %rsqrt3A = math.rsqrt %add3A_17 : vector<1x128xf32>
    %mul3A_18 = vector.broadcast %rsqrt3A : vector<1x128xf32> to vector<512x128xf32>
    %mul3A_19 = arith.mulf %sub3A_15, %mul3A_18 : vector<512x128xf32>
    %get3A_20 = arith.constant 0 : index
    %get3A_21 = arith.constant 0 : index
    %get3A_22 = vector.load %arg3[%get3A_20, %get3A_21] : memref<1x128xf32, #tpu.memory_space<vmem>>, vector<1x128xf32>
    %mul3A_23 = vector.broadcast %get3A_22 : vector<1x128xf32> to vector<512x128xf32>
    %mul3A_24 = arith.mulf %mul3A_19, %mul3A_23 : vector<512x128xf32>
    %get3A_25 = arith.constant 0 : index
    %get3A_26 = arith.constant 0 : index
    %get3A_27 = vector.load %arg4[%get3A_25, %get3A_26] : memref<1x128xf32, #tpu.memory_space<vmem>>, vector<1x128xf32>
    %add3A_28 = vector.broadcast %get3A_27 : vector<1x128xf32> to vector<512x128xf32>
    %add3A_29 = arith.addf %mul3A_24, %add3A_28 : vector<512x128xf32>
    %get3A_30 = arith.constant 0 : index
    %get3A_31 = arith.constant 0 : index
    %get3A_32 = vector.load %arg5[%get3A_30, %get3A_31] : memref<128x64xf32, #tpu.memory_space<vmem>>, vector<128x64xf32>
    %dot_general3A = arith.constant dense<0.000000e+00> : vector<512x64xf32>
    %dot_general3A_33 = tpu.matmul %add3A_29, %get3A_32, %dot_general3A {dimension_numbers = #tpu.dot_dimension_numbers<[1], [0], [0], [1], [0, 0, 1, 1], [], []>, transpose_lhs_hint = false} : vector<512x128xf32>, vector<128x64xf32>, vector<512x64xf32> -> vector<512x64xf32>
    %get3A_34 = arith.constant 0 : index
    %get3A_35 = arith.constant 0 : index
    %get3A_36 = vector.load %arg6[%get3A_34, %get3A_35] : memref<1x64xf32, #tpu.memory_space<vmem>>, vector<1x64xf32>
    %add3A_37 = vector.broadcast %get3A_36 : vector<1x64xf32> to vector<512x64xf32>
    %add3A_38 = arith.addf %dot_general3A_33, %add3A_37 : vector<512x64xf32>
    %max3A = arith.constant 0.000000e+00 : f32
    %max3A_39 = vector.broadcast %max3A : f32 to vector<512x64xf32>
    %max3A_40 = arith.maximumf %add3A_38, %max3A_39 : vector<512x64xf32>
    %swap3A = arith.constant 0 : index
    %swap3A_41 = arith.constant 0 : index
    %swap3A_42 = vector.load %arg7[%swap3A, %swap3A_41] : memref<512x64xf32, #tpu.memory_space<vmem>>, vector<512x64xf32>
    tpu.vector_store %arg7[%swap3A, %swap3A_41], %max3A_40 {strides = array<i32>} : memref<512x64xf32, #tpu.memory_space<vmem>>, vector<512x64xf32>,
    %get3A_43 = arith.constant 0 : index
    %get3A_44 = arith.constant 0 : index
    %get3A_45 = vector.load %arg9[%get3A_43, %get3A_44] : memref<8x64xf32, #tpu.memory_space<vmem>>, vector<1x64xf32>
    %reduce_sum3A = arith.constant dense<0.000000e+00> : vector<64xf32>
    %reduce_sum3A_46 = vector.multi_reduction <add>, %max3A_40, %reduce_sum3A [0] : vector<512x64xf32> to vector<64xf32>
    %broadcast_in_dim3A = vector.shape_cast %reduce_sum3A_46 : vector<64xf32> to vector<1x64xf32>
    %add3A_47 = arith.addf %get3A_45, %broadcast_in_dim3A : vector<1x64xf32>
    %swap3A_48 = arith.constant 0 : index
    %swap3A_49 = arith.constant 0 : index
    %swap3A_50 = vector.load %arg9[%swap3A_48, %swap3A_49] : memref<8x64xf32, #tpu.memory_space<vmem>>, vector<1x64xf32>
    tpu.vector_store %arg9[%swap3A_48, %swap3A_49], %add3A_47 {strides = array<i32>} : memref<8x64xf32, #tpu.memory_space<vmem>>, vector<1x64xf32>,
    %get3A_51 = arith.constant 1 : index
    %get3A_52 = arith.constant 0 : index
    %get3A_53 = vector.load %arg9[%get3A_51, %get3A_52] : memref<8x64xf32, #tpu.memory_space<vmem>>, vector<1x64xf32>
    %mul3A_54 = arith.mulf %max3A_40, %max3A_40 : vector<512x64xf32>
    %reduce_sum3A_55 = arith.constant dense<0.000000e+00> : vector<64xf32>
    %reduce_sum3A_56 = vector.multi_reduction <add>, %mul3A_54, %reduce_sum3A_55 [0] : vector<512x64xf32> to vector<64xf32>
    %broadcast_in_dim3A_57 = vector.shape_cast %reduce_sum3A_56 : vector<64xf32> to vector<1x64xf32>
    %add3A_58 = arith.addf %get3A_53, %broadcast_in_dim3A_57 : vector<1x64xf32>
    %swap3A_59 = arith.constant 1 : index
    %swap3A_60 = arith.constant 0 : index
    %swap3A_61 = vector.load %arg9[%swap3A_59, %swap3A_60] : memref<8x64xf32, #tpu.memory_space<vmem>>, vector<1x64xf32>
    tpu.vector_store %arg9[%swap3A_59, %swap3A_60], %add3A_58 {strides = array<i32>} : memref<8x64xf32, #tpu.memory_space<vmem>>, vector<1x64xf32>,
    %eq3A_62 = arith.constant 31 : i32
    %eq3A_63 = arith.cmpi eq, %arg0, %eq3A_62 : i32
    %convert_element_type3A_64 = arith.extui %eq3A_63 : i1 to i32
    %cond3A_65 = arith.constant 0 : i32
    %cond3A_66 = arith.cmpi ne, %convert_element_type3A_64, %cond3A_65 : i32
    scf.if %cond3A_66 {
      %get3A_67 = arith.constant 0 : index
      %get3A_68 = arith.constant 0 : index
      %get3A_69 = vector.load %arg9[%get3A_67, %get3A_68] : memref<8x64xf32, #tpu.memory_space<vmem>>, vector<8x64xf32>
      %swap3A_70 = arith.constant 0 : index
      %swap3A_71 = arith.constant 0 : index
      %swap3A_72 = vector.load %arg8[%swap3A_70, %swap3A_71] : memref<8x64xf32, #tpu.memory_space<vmem>>, vector<8x64xf32>
      tpu.vector_store %arg8[%swap3A_70, %swap3A_71], %get3A_69 {strides = array<i32>} : memref<8x64xf32, #tpu.memory_space<vmem>>, vector<8x64xf32>,
    } else {
    }
    return
  }
  func.func @transform_0(%arg0: i32) -> (i32, i32) {
    %c0_i32 = arith.constant 0 : i32
    %c0_i32_0 = arith.constant 0 : i32
    return %arg0, %c0_i32 : i32, i32
  }
  func.func @transform_1(%arg0: i32) -> (i32, i32) {
    %c0_i32 = arith.constant 0 : i32
    %c0_i32_0 = arith.constant 0 : i32
    %c0_i32_1 = arith.constant 0 : i32
    return %c0_i32, %c0_i32_0 : i32, i32
  }
  func.func @transform_2(%arg0: i32) -> (i32, i32) {
    %c0_i32 = arith.constant 0 : i32
    %c0_i32_0 = arith.constant 0 : i32
    %c0_i32_1 = arith.constant 0 : i32
    return %c0_i32, %c0_i32_0 : i32, i32
  }
  func.func @transform_3(%arg0: i32) -> (i32, i32) {
    %c0_i32 = arith.constant 0 : i32
    %c0_i32_0 = arith.constant 0 : i32
    %c0_i32_1 = arith.constant 0 : i32
    return %c0_i32, %c0_i32_0 : i32, i32
  }
  func.func @transform_4(%arg0: i32) -> (i32, i32) {
    %c0_i32 = arith.constant 0 : i32
    %c0_i32_0 = arith.constant 0 : i32
    %c0_i32_1 = arith.constant 0 : i32
    return %c0_i32, %c0_i32_0 : i32, i32
  }
  func.func @transform_5(%arg0: i32) -> (i32, i32) {
    %c0_i32 = arith.constant 0 : i32
    %c0_i32_0 = arith.constant 0 : i32
    %c0_i32_1 = arith.constant 0 : i32
    return %c0_i32, %c0_i32_0 : i32, i32
  }
  func.func @transform_6(%arg0: i32) -> (i32, i32) {
    %c0_i32 = arith.constant 0 : i32
    %c0_i32_0 = arith.constant 0 : i32
    return %arg0, %c0_i32 : i32, i32
  }
  func.func @transform_7(%arg0: i32) -> (i32, i32) {
    %c0_i32 = arith.constant 0 : i32
    %c0_i32_0 = arith.constant 0 : i32
    %c0_i32_1 = arith.constant 0 : i32
    return %c0_i32, %c0_i32_0 : i32, i32
  }
}

module attributes {stable_mosaic.version = 14 : i64} {
  func.func @_mlp2b_body(%arg0: i32, %arg1: memref<512x64xf32, #tpu.memory_space<vmem>>, %arg2: memref<8x64xf32, #tpu.memory_space<vmem>>, %arg3: memref<1x64xf32, #tpu.memory_space<vmem>>, %arg4: memref<1x64xf32, #tpu.memory_space<vmem>>, %arg5: memref<1x64xf32, #tpu.memory_space<vmem>>, %arg6: memref<1x1xf32, #tpu.memory_space<vmem>>, %arg7: memref<512x1xf32, #tpu.memory_space<vmem>>) attributes {dimension_semantics = [#tpu.dimension_semantics<arbitrary>], iteration_bounds = array<i64: 32>, scalar_prefetch = 0 : i64, scratch_operands = 0 : i64, tpu.core_type = #tpu.core_type<tc>, window_params = [{transform_indices = @transform_0, window_bounds = array<i64: 512, 64>}, {pipeline_mode = #tpu.pipeline_mode<synchronous>, transform_indices = @transform_1, window_bounds = array<i64: 8, 64>}, {pipeline_mode = #tpu.pipeline_mode<synchronous>, transform_indices = @transform_2, window_bounds = array<i64: 1, 64>}, {pipeline_mode = #tpu.pipeline_mode<synchronous>, transform_indices = @transform_3, window_bounds = array<i64: 1, 64>}, {pipeline_mode = #tpu.pipeline_mode<synchronous>, transform_indices = @transform_4, window_bounds = array<i64: 1, 64>}, {pipeline_mode = #tpu.pipeline_mode<synchronous>, transform_indices = @transform_5, window_bounds = array<i64: 1, 1>}, {transform_indices = @transform_6, window_bounds = array<i64: 512, 1>}]} {
    %get3A = arith.constant 0 : index
    %get3A_0 = arith.constant 0 : index
    %get3A_1 = vector.load %arg2[%get3A, %get3A_0] : memref<8x64xf32, #tpu.memory_space<vmem>>, vector<8x64xf32>
    %slice3A = vector.extract_strided_slice %get3A_1 {offsets = [0, 0], sizes = [1, 64], strides = [1, 1]} : vector<8x64xf32> to vector<1x64xf32>
    %mul3A = arith.constant 6.10351563E-5 : f32
    %mul3A_2 = vector.broadcast %mul3A : f32 to vector<1x64xf32>
    %mul3A_3 = arith.mulf %slice3A, %mul3A_2 : vector<1x64xf32>
    %slice3A_4 = vector.extract_strided_slice %get3A_1 {offsets = [1, 0], sizes = [1, 64], strides = [1, 1]} : vector<8x64xf32> to vector<1x64xf32>
    %mul3A_5 = arith.constant 6.10351563E-5 : f32
    %mul3A_6 = vector.broadcast %mul3A_5 : f32 to vector<1x64xf32>
    %mul3A_7 = arith.mulf %slice3A_4, %mul3A_6 : vector<1x64xf32>
    %mul3A_8 = arith.mulf %mul3A_3, %mul3A_3 : vector<1x64xf32>
    %sub3A = arith.subf %mul3A_7, %mul3A_8 : vector<1x64xf32>
    %get3A_9 = arith.constant 0 : index
    %get3A_10 = arith.constant 0 : index
    %get3A_11 = vector.load %arg1[%get3A_9, %get3A_10] : memref<512x64xf32, #tpu.memory_space<vmem>>, vector<512x64xf32>
    %sub3A_12 = vector.broadcast %mul3A_3 : vector<1x64xf32> to vector<512x64xf32>
    %sub3A_13 = arith.subf %get3A_11, %sub3A_12 : vector<512x64xf32>
    %add3A = arith.constant 9.99999974E-6 : f32
    %add3A_14 = vector.broadcast %add3A : f32 to vector<1x64xf32>
    %add3A_15 = arith.addf %sub3A, %add3A_14 : vector<1x64xf32>
    %rsqrt3A = math.rsqrt %add3A_15 : vector<1x64xf32>
    %mul3A_16 = vector.broadcast %rsqrt3A : vector<1x64xf32> to vector<512x64xf32>
    %mul3A_17 = arith.mulf %sub3A_13, %mul3A_16 : vector<512x64xf32>
    %get3A_18 = arith.constant 0 : index
    %get3A_19 = arith.constant 0 : index
    %get3A_20 = vector.load %arg3[%get3A_18, %get3A_19] : memref<1x64xf32, #tpu.memory_space<vmem>>, vector<1x64xf32>
    %mul3A_21 = vector.broadcast %get3A_20 : vector<1x64xf32> to vector<512x64xf32>
    %mul3A_22 = arith.mulf %mul3A_17, %mul3A_21 : vector<512x64xf32>
    %get3A_23 = arith.constant 0 : index
    %get3A_24 = arith.constant 0 : index
    %get3A_25 = vector.load %arg4[%get3A_23, %get3A_24] : memref<1x64xf32, #tpu.memory_space<vmem>>, vector<1x64xf32>
    %add3A_26 = vector.broadcast %get3A_25 : vector<1x64xf32> to vector<512x64xf32>
    %add3A_27 = arith.addf %mul3A_22, %add3A_26 : vector<512x64xf32>
    %get3A_28 = arith.constant 0 : index
    %get3A_29 = arith.constant 0 : index
    %get3A_30 = vector.load %arg5[%get3A_28, %get3A_29] : memref<1x64xf32, #tpu.memory_space<vmem>>, vector<1x64xf32>
    %mul3A_31 = vector.broadcast %get3A_30 : vector<1x64xf32> to vector<512x64xf32>
    %mul3A_32 = arith.mulf %add3A_27, %mul3A_31 : vector<512x64xf32>
    %reduce_sum3A = arith.constant dense<0.000000e+00> : vector<512xf32>
    %reduce_sum3A_33 = vector.multi_reduction <add>, %mul3A_32, %reduce_sum3A [1] : vector<512x64xf32> to vector<512xf32>
    %broadcast_in_dim3A = vector.shape_cast %reduce_sum3A_33 : vector<512xf32> to vector<512x1xf32>
    %get3A_34 = arith.constant 0 : index
    %get3A_35 = arith.constant 0 : index
    %get3A_36 = vector.load %arg6[%get3A_34, %get3A_35] : memref<1x1xf32, #tpu.memory_space<vmem>>, vector<1x1xf32>
    %add3A_37 = vector.broadcast %get3A_36 : vector<1x1xf32> to vector<512x1xf32>
    %add3A_38 = arith.addf %broadcast_in_dim3A, %add3A_37 : vector<512x1xf32>
    %swap3A = arith.constant 0 : index
    %swap3A_39 = arith.constant 0 : index
    %swap3A_40 = vector.load %arg7[%swap3A, %swap3A_39] : memref<512x1xf32, #tpu.memory_space<vmem>>, vector<512x1xf32>
    tpu.vector_store %arg7[%swap3A, %swap3A_39], %add3A_38 {strides = array<i32>} : memref<512x1xf32, #tpu.memory_space<vmem>>, vector<512x1xf32>,
    return
  }
  func.func @transform_0(%arg0: i32) -> (i32, i32) {
    %c0_i32 = arith.constant 0 : i32
    %c0_i32_0 = arith.constant 0 : i32
    return %arg0, %c0_i32 : i32, i32
  }
  func.func @transform_1(%arg0: i32) -> (i32, i32) {
    %c0_i32 = arith.constant 0 : i32
    %c0_i32_0 = arith.constant 0 : i32
    %c0_i32_1 = arith.constant 0 : i32
    return %c0_i32, %c0_i32_0 : i32, i32
  }
  func.func @transform_2(%arg0: i32) -> (i32, i32) {
    %c0_i32 = arith.constant 0 : i32
    %c0_i32_0 = arith.constant 0 : i32
    %c0_i32_1 = arith.constant 0 : i32
    return %c0_i32, %c0_i32_0 : i32, i32
  }
  func.func @transform_3(%arg0: i32) -> (i32, i32) {
    %c0_i32 = arith.constant 0 : i32
    %c0_i32_0 = arith.constant 0 : i32
    %c0_i32_1 = arith.constant 0 : i32
    return %c0_i32, %c0_i32_0 : i32, i32
  }
  func.func @transform_4(%arg0: i32) -> (i32, i32) {
    %c0_i32 = arith.constant 0 : i32
    %c0_i32_0 = arith.constant 0 : i32
    %c0_i32_1 = arith.constant 0 : i32
    return %c0_i32, %c0_i32_0 : i32, i32
  }
  func.func @transform_5(%arg0: i32) -> (i32, i32) {
    %c0_i32 = arith.constant 0 : i32
    %c0_i32_0 = arith.constant 0 : i32
    %c0_i32_1 = arith.constant 0 : i32
    return %c0_i32, %c0_i32_0 : i32, i32
  }
  func.func @transform_6(%arg0: i32) -> (i32, i32) {
    %c0_i32 = arith.constant 0 : i32
    %c0_i32_0 = arith.constant 0 : i32
    return %arg0, %c0_i32 : i32, i32
  }
}

</mosaic_0001>

<sc_bundles>
// kernel: kernel.6.cloned.1.call-start
scs
__scs_entry_jumppad:
0x0: {  	(pc) =	sbr.rel $0x88, $3  }
0x1: {  	(tag) =	ssettag $0x0;
	lr =	simm.s32 $0x1  }
0x2: {  	[smem:$0x3F94] =	sst lr;
	_ =	strace $0xD0000000  }
0x3: {  	_ = 	snop  }
0x4: {  	_ = 	snop  }
0x5: {  	_ = 	snop  }
0x6: {  	_ = 	snop  }
0x7: {  	_ = 	snop  }
__scs_overlays_trampoline_lowered:
0x8: {  	[smem:$0x3FA3] =	sst s0  }
0x9: {  	[smem:$0x3FA4] =	sst s1  }
0xa: {  	[smem:$0x3FA5] =	sst s2  }
0xb: {  	[smem:$0x3FA6] =	sst s3  }
0xc: {  	[smem:$0x3FA7] =	sst s4  }
0xd: {  	[smem:$0x3FA8] =	sst s5  }
0xe: {  	[smem:$0x3FA9] =	sst s6  }
0xf: {  	[smem:$0x3FAA] =	sst s7  }
0x10: {  	[smem:$0x3FAB] =	sst s8  }
0x11: {  	[smem:$0x3FAC] =	sst s9;
	s0 =	simm.s32 @!p0 $0x0  }
0x12: {  	s1 =	sld [smem:$0x3F92];
	s0 =	simm.s32 @p0 $0x1  }
0x13: {  	[smem:$0x3FAD] =	sst s0;
	s0 =	simm.s32 @!p1 $0x0  }
0x14: {  	s2 =	sld [smem:$0x3F91];
	s0 =	simm.s32 @p1 $0x1  }
0x15: {  	[smem:$0x3FAE] =	sst s0;
	s0 =	simm.s32 @!p2 $0x0  }
0x16: {  	s3 =	sld [smem:$0x3FDB];
	s0 =	simm.s32 @p2 $0x1  }
0x17: {  	s4 =	simm.s32 $0x1BF5;
	[smem:$0x3FB0] =	sst s0  }
0x18: {  	s0 =	sld [smem:$0x3F93];
	_ =	swait.ge [sflag:s4], $0x0  }
0x19: {  	s7 =	sld [smem:$0x3F94]  }
0x1a: {  	s8 =	sadd.s32 $0xFFFFE003, lr  }
0x1b: {  	s9 =	sadd.s32 $0xFFFFFEF7, lr;
	s5 =	simm.s32 $0xFFFFFFFF;
	p2 =	slt.u32 s8, $0xFFFFF086  }
0x1c: {  	p1 =	slt.u32 s9, $0xF7A;
	s5 =	simm.s32 @!p2 $0x0  }
0x1d: {  	s5 =	simm.s32 @p1 $0x1;
	p0 =	seq.s32 s7, s2  }
0x1e: {  	s7 =	smul.u32 @!p0 $0xF7A, s2;
	p2 =	seq.s32 @!p0 s5, $0x0  }
0x1f: {  	s9 =	smul.u32 $0xF7A, s1;
	s8 =	simm.s32 @!p0 $0x1BF5;
	p2 =	por !p2, p0  }
0x20: {  	[sflag:s8] =	ssyncset.s32 @!p0 $0xFFFFF086;
	s6 =	sadd.s32 @!p0 s3, s7;
	s7 =	simm.s32 @!p0 $0x108  }
0x21: {  	s3 =	sadd.s32 s3, s9;
	s6 =	sadd.s32 @!p0 $0x88, s6;
	s7 =	simm.s32 @p2 $0x1082  }
0x22: {  	[simem:s7], [sflag:s8] =	dma.local @!p0 [hbm:s6], $0xF7A  }
0x23: {  	s9 =	sor.u32 $0xD0000000, s2;
	s6 =	simm.s32 $0x108;
	_ =	swait.ge @!p0 [sflag:s8], $0x0  }
0x24: {  	s3 =	sadd.s32 $0x88, s3;
	s6 =	simm.s32 @!p1 $0x1082;
	[sflag:s4] =	ssyncset.s32 $0xFFFFF086  }
0x25: {  	[simem:s6], [sflag:s4] =	dma.local [hbm:s3], $0xF7A  }
0x26: {  	[smem:$0x3F94] =	sst s1;
	(tag) =	ssettag s2;
	_ =	strace s9  }
0x27: {  	s1 =	sld [smem:$0x3FA4]  }
0x28: {  	s2 =	sld [smem:$0x3FA5]  }
0x29: {  	s4 =	sld [smem:$0x3FA7]  }
0x2a: {  	p0 =	seq.s32 s5, $0x0;
	s5 =	sld [smem:$0x3FA8]  }
0x2b: {  	s6 =	sld [smem:$0x3FA9]  }
0x2c: {  	s7 =	sld [smem:$0x3FAA]  }
0x2d: {  	s3 =	simm.s32 $0x108;
	s8 =	sld [smem:$0x3FAB]  }
0x2e: {  	s3 =	simm.s32 @!p0 $0x1082;
	s9 =	sld [smem:$0x3FAC]  }
0x2f: {  	lr =	sadd.s32 s0, s3;
	s0 =	sld [smem:$0x3FA3]  }
0x30: {  	s3 =	sld [smem:$0x3FA6]  }
0x31: {  	[smem:$0x3FAF] =	sst s10  }
0x32: {  	s10 =	sld [smem:$0x3FAD];
	_ =	sdelay $0x3  }
0x33: {  	p0 =	seq.s32 s10, $0x1;
	s10 =	sld [smem:$0x3FAF];
	_ =	sdelay $0x3  }
0x34: {  	[smem:$0x3FAF] =	sst s10  }
0x35: {  	s10 =	sld [smem:$0x3FAE];
	_ =	sdelay $0x3  }
0x36: {  	p1 =	seq.s32 s10, $0x1;
	s10 =	sld [smem:$0x3FAF];
	_ =	sdelay $0x3  }
0x37: {  	[smem:$0x3FAF] =	sst s10  }
0x38: {  	s10 =	sld [smem:$0x3FB0]  }
0x39: {  	_ = 	snop;
	(pc) =	sbr.ind lr, $3  }
0x3a: {  	_ = 	snop  }
0x3b: {  	_ = 	snop  }
0x3c: {  	p2 =	seq.s32 s10, $0x1;
	s10 =	sld [smem:$0x3FAF]  }
0x3d: {  	_ =	shalt  }
0x3e: {  	_ =	shalt  }
0x3f: {  	_ =	shalt  }
0x40: {  	_ =	shalt  }
0x41: {  	_ =	shalt  }
0x42: {  	_ =	shalt  }
0x43: {  	_ =	shalt  }
0x44: {  	_ =	shalt  }
0x45: {  	_ =	shalt  }
0x46: {  	_ =	shalt  }
0x47: {  	_ =	shalt  }
0x48: {  	_ =	shalt  }
0x49: {  	_ =	shalt  }
0x4a: {  	_ =	shalt  }
0x4b: {  	_ =	shalt  }
0x4c: {  	_ =	shalt  }
0x4d: {  	_ =	shalt  }
0x4e: {  	_ =	shalt  }
0x4f: {  	_ =	shalt  }
0x50: {  	_ =	shalt  }
0x51: {  	_ =	shalt  }
0x52: {  	_ =	shalt  }
0x53: {  	_ =	shalt  }
0x54: {  	_ =	shalt  }
0x55: {  	_ =	shalt  }
0x56: {  	_ =	shalt  }
0x57: {  	_ =	shalt  }
0x58: {  	_ =	shalt  }
0x59: {  	_ =	shalt  }
0x5a: {  	_ =	shalt  }
0x5b: {  	_ =	shalt  }
0x5c: {  	_ =	shalt  }
0x5d: {  	_ =	shalt  }
0x5e: {  	_ =	shalt  }
0x5f: {  	_ =	shalt  }
0x60: {  	_ =	shalt  }
0x61: {  	_ =	shalt  }
0x62: {  	_ =	shalt  }
0x63: {  	_ =	shalt  }
0x64: {  	_ =	shalt  }
0x65: {  	_ =	shalt  }
0x66: {  	_ =	shalt  }
0x67: {  	_ =	shalt  }
0x68: {  	_ =	shalt  }
0x69: {  	_ =	shalt  }
0x6a: {  	_ =	shalt  }
0x6b: {  	_ =	shalt  }
0x6c: {  	_ =	shalt  }
0x6d: {  	_ =	shalt  }
0x6e: {  	_ =	shalt  }
0x6f: {  	_ =	shalt  }
0x70: {  	_ =	shalt  }
0x71: {  	_ =	shalt  }
0x72: {  	_ =	shalt  }
0x73: {  	_ =	shalt  }
0x74: {  	_ =	shalt  }
0x75: {  	_ =	shalt  }
0x76: {  	_ =	shalt  }
0x77: {  	_ =	shalt  }
0x78: {  	_ =	shalt  }
0x79: {  	_ =	shalt  }
0x7a: {  	_ =	shalt  }
0x7b: {  	_ =	shalt  }
0x7c: {  	_ =	shalt  }
0x7d: {  	_ =	shalt  }
0x7e: {  	_ =	shalt  }
0x7f: {  	_ =	shalt  }
0x80: {  	_ =	shalt  }
0x81: {  	_ =	shalt  }
0x82: {  	_ =	shalt  }
0x83: {  	_ =	shalt  }
0x84: {  	_ =	shalt  }
0x85: {  	_ =	shalt  }
0x86: {  	_ =	shalt  }
0x87: {  	_ =	shalt  }
.Lfunc_end0:
.L_simem_size_0:
called_computation.1_lowered:
.L_overlay_start_0:
0x88: {  	s2 =	sld [smem:$0x3FD9]  }
0x89: {  	s3 =	sld [smem:$0x3FFE];
	_ =	sdelay $0x1  }
0x8a: {  	s1 =	srdreg.scid  }
0x8b: {  	s0 =	sand.u32 $0x1, s1  }
0x8c: {  	s16 =	sshll.u32 s0, $0xA;
	s2 =	sadd.s32 s3, s2  }
0x8d: {  	s2 =	sadd.s32 s2, s16  }
0x8e: {  	[smem:$0x3FBB] =	sst s2  }
0x8f: {  	_ = 	snop  }
0x90: {  	(tm) =	ssettm $0x1  }
0x91: {  	s17 =	sld [smem:$0x3FFB];
	_ =	sdelay $0x3  }
0x92: {  	_ =	strace s17  }
0x93: {  	s2 =	sld [smem:$0x3FFC];
	_ =	sdelay $0x3  }
0x94: {  	_ =	strace s2  }
0x95: {  	s2 =	sld [smem:$0x3FFD];
	_ =	sdelay $0x3  }
0x96: {  	_ =	strace s2  }
0x97: {  	_ =	strace $0x8FFFFFFF  }
0x98: {  	s18 =	sld [smem:$0x3FDB];
	_ =	sdelay $0x1  }
0x99: {  	s19 =	simm.s32 $_scs_section_size  }
0x9a: {  	s4 =	simm.s32 $_size__tile_overlayer_lowered;
	s5 =	simm.s32 $_tile_overlayer_lowered  }
0x9b: {  	s22 =	simm.s32 $0x1BFF;
	s21 =	sshll.u32 s5, $0x1;
	s2 =	sadd.s32 s19, s18  }
0x9c: {  	s6 =	simm.s32 $0x0;
	s20 =	sshll.u32 s4, $0x1;
	s4 =	sadd.s32 s21, s2  }
0x9d: {  	[timem:s6], [sflag:s22] =	dma.local [hbm:s4], s20  }
0x9e: {  	_ =	swait.ge [sflag:s22], s20  }
0x9f: {  	s3 =	ssub.s32 $0x0, s20;
	[sflag:s22] =	ssyncset.done $0x0  }
0xa0: {  	[sflag:s22] =	ssyncadd.s32 s3;
	_ =	sdelay $0x1  }
0xa1: {  	s23 =	simm.s32 $0x1B8B  }
0xa2: {  	_ =	swait.ge [sflag:s23], $0x1  }
0xa3: {  	[sflag:s23] =	ssyncset.done $0x0  }
0xa4: {  	s25 =	simm.s32 $0x1B8E;
	s24 =	sld [smem:$0x3FFE];
	[sflag:s23] =	ssyncadd.s32 $0xFFFFFFFF  }
0xa5: {  	s26 =	simm.s32 $execute0_lowered;
	[smem:$0x3FD2] =	sst s25  }
0xa6: {  	s4 =	sshll.u32 s26, $0x1;
	_ =	strace $0x80000049;
	[dreg:$0x1] =	wrdreg $0xFFFFFFFF  }
0xa7: {  	s28 =	simm.s32 $_size_execute0_lowered;
	s2 =	sadd.s32 s2, s4;
	[dreg:$0x0] =	wrdreg $0x0  }
0xa8: {  	s4 =	sshll.u32 s28, $0x1;
	[dreg:$0x2] =	wrdreg s2  }
0xa9: {  	[dreg:$0x3] =	wrdreg s4  }
0xaa: {  	[dreg:$0x4] =	wrdreg $0xC0  }
0xab: {  	_ =	task [dreg:s6], $0x5FFFF  }
0xac: {  	[dreg:$0x1] =	wrdreg $0xFFFFFFFF  }
0xad: {  	[dreg:$0x0] =	wrdreg $0x60  }
0xae: {  	[dreg:$0x2] =	wrdreg s24  }
0xaf: {  	[dreg:$0x3] =	wrdreg $0x9  }
0xb0: {  	_ =	task.clear_ibuf [dreg:s6], $0x4FFFF;
	_ =	strace $0x90000049  }
0xb1: {  	s29 =	simm.s32 $0x9;
	_ =	strace $0x8000004B  }
0xb2: {  	_ =	swait.ge [sflag:s29], $0x1  }
0xb3: {  	[sflag:s29] =	ssyncadd.s32 $0xFFFFFFFF  }
0xb4: {  	_ =	strace $0x9000004B  }
0xb5: {  	_ =	sfence  }
0xb6: {  	s30 =	sld [smem:$0x0];
	_ =	sdelay $0x2  }
0xb7: {  	s31 =	sshll.u32 s1, $0xD;
	s1 =	sshrl.u32 s1, $0x2  }
0xb8: {  	s3 =	sand.u32 $0x4000, s31;
	s1 =	sadd.s32 s1, s30  }
0xb9: {  	s0 =	sor.u32 s3, s0;
	s1 =	sshll.u32 s1, $0x11  }
0xba: {  	s0 =	sor.u32 s1, s0  }
0xbb: {  	s0 =	sadd.s32 $0x8F2B, s0  }
0xbc: {  	[sflag:s0] =	ssyncadd.remote.s32 $0x1  }
0xbd: {  	_ =	sfence.sel $0xFFFF  }
0xbe: {  	[dreg:$0x0] =	wrdreg $0xFFFFFFFF;
	(pc) =	sbr.abs _section_cstart, $3  }
0xbf: {  	[dreg:$0x1] =	wrdreg $0xFFFFFFFF  }
0xc0: {  	_ =	task.clear_ibuf [dreg:s6], $0x2FFFF;
	_ =	strace $0x9FFFFFFF  }
0xc1: {  	(tm) =	ssettm $0x7FFFFFFF  }
tec
execute0_lowered:
.L_overlay_start_1:
0x0: {  	(tag) =	ssettag $0x1  }
0x1: {  	s1 =	srdreg.scid  }
0x2: {  	s0 =	stileid.u32;
	s4 =	rddreg [dreg:$0x0]  }
0x3: {  	s2 =	simm.s32 $0x0;
	s9 =	simm.s32 $0x3400;
	s10 =	simm.s32 $0x80  }
0x4: {  	s11 =	simm.s32 $0x6800;
	s12 =	simm.s32 $0x8800;
	s13 =	simm.s32 $0x2  }
0x5: {  	s14 =	simm.s32 $0x6780;
	s3 =	sand.u32 $0x1, s1;
	s5 =	sshll.u32 s0, $0x1  }
0x6: {  	s15 =	simm.s32 $0x3;
	s16 =	simm.s32 $0x4;
	s5 =	sor.u32 s3, s5  }
0x7: {  	s17 =	simm.s32 $0x0;
	[smem:$0x7FF] =	sst s2;
	s5 =	smul.u32 $0x680, s5  }
0x8: {  	s1 =	rddreg [dreg:$0x1];
	_ =	strace $0x8000004A;
	s6 =	ssub.s32 $0x2, s3  }
0x9: {  	s3 =	sadd.s32 $0x27C8C00, s4;
	s31 =	sshrl.u32 s6, $0x1;
	s7 =	sadd.s32 s5, s4  }
0xa: {  	s8 =	ssub.s32 s6, s31;
	s4 =	sadd.s32 $0x2800, s4;
	s5 =	sadd.s32 $0x27AEC00, s7  }
0xb: {  	s6 =	sadd.s32 $0x27BBC00, s7;
	s7 =	smax.u32 s8, $0x1;
	s8 =	simm.s32 $0x5  }
.LBB2_1:
0xc: {  	[tilespmem:s2], [sflag:$0x5] =	stream.linear.gather [hbm4b:s5+s2], $0x3400, $0x38;
	[tilespmem:$0xA800] =	vst v63  }
0xd: {  	_ =	swait.ge [sflag:s8], $0x3400  }
0xe: {  	[sflag:s8] =	ssyncset.done $0x0  }
0xf: {  	[sflag:s8] =	ssyncadd.s32 $0xFFFFCC00  }
0x10: {  	[tilespmem:s9], [sflag:$0x5] =	stream.linear.gather [hbm4b:s6+s2], $0x3400, $0x38;
	[tilespmem:$0xA800] =	vst v63  }
0x11: {  	_ =	swait.ge [sflag:s8], $0x3400  }
0x12: {  	[sflag:s8] =	ssyncset.done $0x0  }
0x13: {  	[sflag:s8] =	ssyncadd.s32 $0xFFFFCC00  }
0x14: {  	[tilespmem:s11], [sflag:$0x1] =	stream.indirect.gather [hbm4b:s3+s10], $0x40, s2, s10, $0xb8;
	[tilespmem:$0xA800] =	vst v63  }
0x15: {  	s18 =	simm.s32 $0x1  }
0x16: {  	[tilespmem:s12], [sflag:$0x2] =	stream.indirect.gather [hbm4b:s3+s10], $0x40, s10, s10, $0xb8;
	[tilespmem:$0xA800] =	vst v63  }
0x17: {  	_ =	swait.ge [sflag:s18], $0x2000  }
0x18: {  	[sflag:s18] =	ssyncset.done $0x0  }
0x19: {  	[sflag:s18] =	ssyncadd.s32 $0xFFFFE000;
	s18 =	sand.u32 $0x1, s18  }
0x1a: {  	[hbm4b:s4+s10] =	stream.indirect.scatter [tilespmem:s11], [sflag:$0x3], $0x40, s9, s10, $0xb8;
	[tilespmem:$0xA800] =	vst v63  }
0x1b: {  	p0 =	seq.s32 s18, $0x1  }
0x1c: {  	s20 =	simm.s32 @!p0 $0x4  }
0x1d: {  	s19 =	simm.s32 $0x3480;
	s22 =	simm.s32 $0x100;
	_ =	swait.ge @!p0 [sflag:s20], $0x2000  }
0x1e: {  	p1 =	seq.s32 s18, $0x0;
	s21 =	simm.s32 @!p0 $0x8800;
	[sflag:s20] =	ssyncset.done @!p0 $0x0  }
0x1f: {  	s23 =	simm.s32 @!p1 $0x3;
	[sflag:s20] =	ssyncadd.s32 @!p0 $0xFFFFE000;
	s20 =	simm.s32 @!p0 $0x80  }
0x20: {  	[tilespmem:s21], [sflag:$0x2] =	stream.indirect.gather @!p0 [hbm4b:s3+s20], $0x40, s22, s20, $0xb8;
	[tilespmem:$0xA800] =	vst v63  }
0x21: {  	s24 =	simm.s32 $0x2;
	p2 =	sne.s32 s18, $0x0;
	_ =	swait.ge @!p1 [sflag:s23], $0x2000  }
0x22: {  	s18 =	simm.s32 @!p1 $0x80;
	s25 =	simm.s32 @!p2 $0x1;
	[sflag:s23] =	ssyncset.done @!p1 $0x0  }
0x23: {  	s20 =	simm.s32 @!p1 $0x6800;
	p0 =	por p0, p0;
	[sflag:s23] =	ssyncadd.s32 @!p1 $0xFFFFE000  }
0x24: {  	[tilespmem:s20], [sflag:$0x1] =	stream.indirect.gather @!p1 [hbm4b:s3+s18], $0x40, s22, s18, $0xb8;
	[tilespmem:$0xA800] =	vst v63  }
0x25: {  	s21 =	simm.s32 $0x3;
	s23 =	simm.s32 @p0 $0x2;
	_ =	swait.ge @!p2 [sflag:s25], $0x2000  }
0x26: {  	s18 =	simm.s32 $0x3500;
	s20 =	simm.s32 $0x180;
	[sflag:s25] =	ssyncset.done @!p2 $0x0  }
0x27: {  	s22 =	simm.s32 @!p2 $0x80;
	[sflag:s25] =	ssyncadd.s32 @!p2 $0xFFFFE000;
	s25 =	simm.s32 @!p2 $0x6800  }
0x28: {  	[hbm4b:s4+s22] =	stream.indirect.scatter @!p2 [tilespmem:s25], [sflag:$0x3], $0x40, s19, s22, $0xb8;
	[tilespmem:$0xA800] =	vst v63  }
0x29: {  	s22 =	sand.u32 $0x1, s24;
	s24 =	simm.s32 @p0 $0x8800;
	_ =	swait.ge @p0 [sflag:s23], $0x2000  }
0x2a: {  	s25 =	simm.s32 @p0 $0x80;
	p1 =	seq.s32 s22, $0x1;
	[sflag:s23] =	ssyncset.done @p0 $0x0  }
.LBB2_2:
0x2b: {  	s26 =	simm.s32 @!p1 $0x4  }
0x2c: {  	[sflag:s23] =	ssyncadd.s32 @p0 $0xFFFFE000;
	s28 =	smov.u32 s21;
	s21 =	sadd.s32 $0x1, s21  }
0x2d: {  	[hbm4b:s4+s25] =	stream.indirect.scatter @p0 [tilespmem:s24], [sflag:$0x4], $0x40, s19, s25, $0xb8;
	[tilespmem:$0xA800] =	vst v63  }
0x2e: {  	p2 =	sne.s32 s21, $0x67;
	s19 =	smov.u32 s18;
	_ =	swait.ge @!p1 [sflag:s26], $0x2000  }
0x2f: {  	s23 =	simm.s32 @!p1 $0x8800;
	p3 =	seq.s32 s22, $0x0;
	[sflag:s26] =	ssyncset.done @!p1 $0x0  }
0x30: {  	s24 =	simm.s32 @!p1 $0x80;
	s25 =	simm.s32 @!p3 $0x3;
	[sflag:s26] =	ssyncadd.s32 @!p1 $0xFFFFE000  }
0x31: {  	[tilespmem:s23], [sflag:$0x2] =	stream.indirect.gather @!p1 [hbm4b:s3+s24], $0x40, s20, s24, $0xb8;
	[tilespmem:$0xA800] =	vst v63  }
0x32: {  	p0 =	por p1, p1;
	_ =	swait.ge @!p3 [sflag:s25], $0x2000  }
0x33: {  	s23 =	simm.s32 @!p3 $0x6800;
	p1 =	sne.s32 s22, $0x0;
	[sflag:s25] =	ssyncset.done @!p3 $0x0  }
0x34: {  	s22 =	simm.s32 @!p3 $0x80;
	s24 =	simm.s32 @!p1 $0x1;
	[sflag:s25] =	ssyncadd.s32 @!p3 $0xFFFFE000  }
0x35: {  	[tilespmem:s23], [sflag:$0x1] =	stream.indirect.gather @!p3 [hbm4b:s3+s22], $0x40, s20, s22, $0xb8;
	[tilespmem:$0xA800] =	vst v63  }
0x36: {  	s18 =	sadd.s32 $0x80, s18;
	s20 =	sadd.s32 $0x80, s20;
	_ =	swait.ge @!p1 [sflag:s24], $0x2000  }
.Ltmp0:
0x37: {  	s23 =	simm.s32 @p0 $0x2;
	[sflag:s24] =	ssyncset.done @!p1 $0x0;
	(pc) =	sbr.rel @p2 .LBB2_2-.Ltmp0, $4  }
0x38: {  	s22 =	simm.s32 @!p1 $0x80;
	[sflag:s24] =	ssyncadd.s32 @!p1 $0xFFFFE000;
	s24 =	simm.s32 @!p1 $0x6800  }
0x39: {  	[hbm4b:s4+s22] =	stream.indirect.scatter @!p1 [tilespmem:s24], [sflag:$0x3], $0x40, s19, s22, $0xb8;
	[tilespmem:$0xA800] =	vst v63  }
0x3a: {  	s22 =	sand.u32 $0x1, s28;
	s24 =	simm.s32 @p0 $0x8800;
	_ =	swait.ge @p0 [sflag:s23], $0x2000  }
0x3b: {  	s25 =	simm.s32 @p0 $0x80;
	p1 =	seq.s32 s22, $0x1;
	[sflag:s23] =	ssyncset.done @p0 $0x0  }
0x3c: {  	s21 =	simm.s32 @!p1 $0x4;
	[sflag:s23] =	ssyncadd.s32 @p0 $0xFFFFE000  }
0x3d: {  	[hbm4b:s4+s25] =	stream.indirect.scatter @p0 [tilespmem:s24], [sflag:$0x4], $0x40, s19, s25, $0xb8;
	[tilespmem:$0xA800] =	vst v63  }
0x3e: {  	_ =	swait.ge @!p1 [sflag:s21], $0x2000  }
0x3f: {  	s19 =	simm.s32 @!p1 $0x8800;
	p0 =	seq.s32 s22, $0x0;
	[sflag:s21] =	ssyncset.done @!p1 $0x0  }
0x40: {  	s23 =	simm.s32 @!p0 $0x3;
	[sflag:s21] =	ssyncadd.s32 @!p1 $0xFFFFE000;
	s21 =	simm.s32 @!p1 $0x80  }
0x41: {  	[tilespmem:s19], [sflag:$0x2] =	stream.indirect.gather @!p1 [hbm4b:s3+s21], $0x40, s20, s21, $0xb8;
	[tilespmem:$0xA800] =	vst v63  }
0x42: {  	p2 =	sne.s32 s22, $0x0;
	_ =	swait.ge @!p0 [sflag:s23], $0x2000  }
0x43: {  	s22 =	simm.s32 @!p2 $0x1;
	[sflag:s23] =	ssyncset.done @!p0 $0x0  }
0x44: {  	s19 =	simm.s32 @!p0 $0x6800;
	s21 =	simm.s32 @!p0 $0x80;
	[sflag:s23] =	ssyncadd.s32 @!p0 $0xFFFFE000  }
0x45: {  	[tilespmem:s19], [sflag:$0x1] =	stream.indirect.gather @!p0 [hbm4b:s3+s21], $0x40, s20, s21, $0xb8;
	[tilespmem:$0xA800] =	vst v63  }
0x46: {  	_ =	swait.ge @!p2 [sflag:s22], $0x2000  }
0x47: {  	p0 =	por p1, p1;
	s20 =	simm.s32 @!p2 $0x80;
	[sflag:s22] =	ssyncset.done @!p2 $0x0  }
0x48: {  	s21 =	simm.s32 @!p2 $0x6800;
	s19 =	simm.s32 @p0 $0x2;
	[sflag:s22] =	ssyncadd.s32 @!p2 $0xFFFFE000  }
0x49: {  	[hbm4b:s4+s20] =	stream.indirect.scatter @!p2 [tilespmem:s21], [sflag:$0x3], $0x40, s18, s20, $0xb8;
	[tilespmem:$0xA800] =	vst v63  }
0x4a: {  	_ =	swait.ge @p0 [sflag:s19], $0x2000  }
0x4b: {  	[sflag:s19] =	ssyncset.done @p0 $0x0  }
0x4c: {  	s20 =	simm.s32 @p0 $0x8800;
	s21 =	simm.s32 @p0 $0x80;
	[sflag:s19] =	ssyncadd.s32 @p0 $0xFFFFE000  }
0x4d: {  	[hbm4b:s4+s21] =	stream.indirect.scatter @p0 [tilespmem:s20], [sflag:$0x4], $0x40, s18, s21, $0xb8;
	[tilespmem:$0xA800] =	vst v63  }
0x4e: {  	_ =	swait.ge [sflag:s13], $0x2000  }
0x4f: {  	[sflag:s13] =	ssyncset.done $0x0  }
0x50: {  	s17 =	sadd.s32 $0x1, s17;
	[sflag:s13] =	ssyncadd.s32 $0xFFFFE000  }
0x51: {  	[hbm4b:s4+s10] =	stream.indirect.scatter [tilespmem:s12], [sflag:$0x4], $0x40, s14, s10, $0xb8;
	[tilespmem:$0xA800] =	vst v63  }
0x52: {  	p0 =	sne.s32 s17, s7;
	_ =	swait.ge [sflag:s15], $0x2000  }
.Ltmp1:
0x53: {  	[sflag:s15] =	ssyncset.done $0x0;
	(pc) =	sbr.rel @p0 .LBB2_1-.Ltmp1, $4  }
0x54: {  	[sflag:s15] =	ssyncadd.s32 $0xFFFFE000  }
0x55: {  	_ =	swait.ge [sflag:s16], $0x2000  }
0x56: {  	[sflag:s16] =	ssyncset.done $0x0  }
0x57: {  	[sflag:s16] =	ssyncadd.s32 $0xFFFFE000  }
0x58: {  	_ =	sfence.sel $0x180000  }
0x59: {  	[bflag:$0x0] =	sbarrier.arrive $0xFFFF  }
0x5a: {  	p0 =	sne.s32 s0, $0x0;
	_ =	strace $0x9000004A  }
0x5b: {  	s0 =	sadd.s32 @!p0 $0x100000, s1;
	[bflag:$0x2] =	sbarrier.arrive $0xFFFF  }
0x5c: {  	[sflag:s0] =	ssyncadd.tile.s32 @!p0 $0x1;
	_ =	shalt  }
.Lfunc_end2:
_tile_overlayer_lowered:
.L_overlay_start_2:
0x5d: {  	(tag) =	ssettag $0x2  }
0x5e: {  	s0 =	rddreg [dreg:$0x0];
	s2 =	stileid.u32  }
0x5f: {  	s1 =	rddreg [dreg:$0x1];
	p0 =	sne.s32 s2, $0x0  }
0x60: {  	s3 =	rddreg [dreg:$0x2];
	[bflag:$0x3] =	sbarrier.arrive $0xFFFF;
	s2 =	simm.s32 @!p0 $0x1C05  }
0x61: {  	[timem:s3], [sflag:s2] =	dma.local @!p0 [hbm:s0], s1  }
0x62: {  	s0 =	simm.s32 @!p0 $0x5  }
0x63: {  	_ =	swait.ge @!p0 [sflag:s0], s1  }
0x64: {  	s1 =	ssub.s32 @!p0 $0x0, s1;
	[sflag:s0] =	ssyncset.done @!p0 $0x0  }
0x65: {  	[sflag:s0] =	ssyncadd.s32 @!p0 s1  }
0x66: {  	[bflag:$0x3] =	sbarrier.arrive $0xFFFF  }
0x67: {  	_ =	shalt  }

// kernel: sparse-core-data-format-call.cloned.1.call-start
scs
called_computation_lowered:
.L_overlay_start_0:
0x0: {  	s2 =	sld [smem:$0x3FD9]  }
0x1: {  	s3 =	sld [smem:$0x3FFE];
	_ =	sdelay $0x1  }
0x2: {  	s1 =	srdreg.scid  }
0x3: {  	s0 =	sand.u32 $0x1, s1  }
0x4: {  	s18 =	sshll.u32 s0, $0xA;
	s2 =	sadd.s32 s3, s2  }
0x5: {  	s2 =	sadd.s32 s2, s18  }
0x6: {  	[smem:$0x3FBB] =	sst s2  }
0x7: {  	_ = 	snop  }
0x8: {  	s2 =	sld [smem:$0x3FC7];
	(tm) =	ssettm $0x1  }
0x9: {  	s19 =	sld [smem:$0x3FFB];
	_ =	sdelay $0x3  }
0xa: {  	_ =	strace s19  }
0xb: {  	s3 =	sld [smem:$0x3FFC];
	_ =	sdelay $0x3  }
0xc: {  	_ =	strace s3  }
0xd: {  	s3 =	sld [smem:$0x3FFD];
	_ =	sdelay $0x3  }
0xe: {  	_ =	strace s3  }
0xf: {  	_ =	strace $0x8FFFFFFF  }
0x10: {  	s20 =	sld [smem:$0x3FDB];
	_ =	sdelay $0x1  }
0x11: {  	s4 =	simm.s32 $_scs_section_size  }
0x12: {  	s5 =	simm.s32 $_size__tile_overlayer_lowered;
	s6 =	simm.s32 $_tile_overlayer_lowered  }
0x13: {  	s23 =	simm.s32 $0x1BFF;
	s22 =	sshll.u32 s6, $0x1;
	s3 =	sadd.s32 s4, s20  }
0x14: {  	s7 =	simm.s32 $0x0;
	s21 =	sshll.u32 s5, $0x1;
	s5 =	sadd.s32 s22, s3  }
0x15: {  	[timem:s7], [sflag:s23] =	dma.local [hbm:s5], s21  }
0x16: {  	_ =	swait.ge [sflag:s23], s21  }
0x17: {  	s4 =	ssub.s32 $0x0, s21;
	[sflag:s23] =	ssyncset.done $0x0  }
0x18: {  	[sflag:s23] =	ssyncadd.s32 s4;
	_ =	sdelay $0x1  }
0x19: {  	s24 =	simm.s32 $0x1B8B  }
0x1a: {  	_ =	swait.ge [sflag:s24], $0x1  }
0x1b: {  	[sflag:s24] =	ssyncset.done $0x0  }
0x1c: {  	s26 =	simm.s32 $0x1B8E;
	s25 =	sld [smem:$0x3FFE];
	[sflag:s24] =	ssyncadd.s32 $0xFFFFFFFF  }
0x1d: {  	s27 =	simm.s32 $execute0_lowered;
	[smem:$0x3FD2] =	sst s26  }
0x1e: {  	s5 =	sshll.u32 s27, $0x1;
	_ =	strace $0x80000046;
	[dreg:$0x1] =	wrdreg $0xFFFFFFFF  }
0x1f: {  	s28 =	simm.s32 $_size_execute0_lowered;
	s3 =	sadd.s32 s3, s5;
	[dreg:$0x0] =	wrdreg $0x0  }
0x20: {  	s5 =	sshll.u32 s28, $0x1;
	[dreg:$0x2] =	wrdreg s3  }
0x21: {  	[dreg:$0x3] =	wrdreg s5  }
0x22: {  	[dreg:$0x4] =	wrdreg $0xC0  }
0x23: {  	_ =	task [dreg:s7], $0x5FFFF  }
0x24: {  	[dreg:$0x1] =	wrdreg $0xFFFFFFFF  }
0x25: {  	[dreg:$0x0] =	wrdreg $0x60  }
0x26: {  	[dreg:$0x2] =	wrdreg s2  }
0x27: {  	[dreg:$0x3] =	wrdreg s25  }
0x28: {  	[dreg:$0x4] =	wrdreg $0x9  }
0x29: {  	_ =	task.clear_ibuf [dreg:s7], $0x5FFFF;
	_ =	strace $0x90000046  }
0x2a: {  	s29 =	simm.s32 $0x9;
	_ =	strace $0x80000048  }
0x2b: {  	_ =	swait.ge [sflag:s29], $0x1  }
0x2c: {  	[sflag:s29] =	ssyncadd.s32 $0xFFFFFFFF  }
0x2d: {  	_ =	strace $0x90000048  }
0x2e: {  	_ =	sfence  }
0x2f: {  	s30 =	sld [smem:$0x0];
	_ =	sdelay $0x2  }
0x30: {  	s31 =	sshll.u32 s1, $0xD;
	s1 =	sshrl.u32 s1, $0x2  }
0x31: {  	s3 =	sand.u32 $0x4000, s31;
	s1 =	sadd.s32 s1, s30  }
0x32: {  	s0 =	sor.u32 s3, s0;
	s1 =	sshll.u32 s1, $0x11  }
0x33: {  	s0 =	sor.u32 s1, s0  }
0x34: {  	s0 =	sadd.s32 $0x8F2B, s0  }
0x35: {  	[sflag:s0] =	ssyncadd.remote.s32 $0x1  }
0x36: {  	_ =	sfence.sel $0xFFFF  }
0x37: {  	[dreg:$0x0] =	wrdreg $0xFFFFFFFF;
	(pc) =	sbr.abs _section_cstart, $3  }
0x38: {  	[dreg:$0x1] =	wrdreg $0xFFFFFFFF  }
0x39: {  	_ =	task.clear_ibuf [dreg:s7], $0x2FFFF;
	_ =	strace $0x9FFFFFFF  }
0x3a: {  	(tm) =	ssettm $0x7FFFFFFF  }
0x3b: {  	_ =	shalt  }
tec
execute0_lowered:
.L_overlay_start_1:
0x0: {  	(tag) =	ssettag $0x1  }
0x1: {  	s0 =	srdreg.scid  }
0x2: {  	s0 =	sshll.u32 s0, $0x4  }
0x3: {  	s1 =	stileid.u32;
	s0 =	sand.u32 $0x10, s0  }
0x4: {  	s28 =	rddreg [dreg:$0x1];
	s0 =	sor.u32 s1, s0  }
0x5: {  	_ =	strace $0x80000047;
	s2 =	simm.s32 $0x1;
	s3 =	sshll.u32 s0, $0x8  }
0x6: {  	s30 =	simm.s32 $0x2;
	s16 =	simm.s32 $0x0;
	s29 =	ssub.s32 $0x18600, s3  }
0x7: {  	s17 =	simm.s32 $0x0;
	s18 =	simm.s32 $0x0;
	s1 =	sshrl.u32 s29, $0xD  }
0x8: {  	s9 =	simm.s32 $0x0;
	s10 =	simm.s32 $0x0;
	s1 =	smul.u32 $0x1A, s1  }
.Ltmp0:
0x9: {  	s12 =	simm.s32 $0x0;
	s0 =	sadd.s32 $0x2800, s28;
	(pc) =	sbr.rel .LBB1_1-.Ltmp0, $4  }
0xa: {  	s13 =	simm.s32 $0x0;
	s14 =	simm.s32 $0x0;
	[dreg:$0x7] =	wrdreg s0  }
0xb: {  	s15 =	simm.s32 $0x0;
	[dreg:$0x6] =	wrdreg s3;
	s31 =	sadd.s32 $0x1A, s1  }
0xc: {  	[sflag:s2] =	ssyncpa.u1 $0x0;
	s8 =	sadd.s32 $0x1B, s1;
	[dreg:$0x8] =	wrdreg s31  }
0xd: {  	[sflag:s30] =	ssyncpa.u1 $0x0;
	s11 =	smov.u32 s3;
	[dreg:$0x9] =	wrdreg s8  }
.LBB1_16:
0xe: {  	s9 =	rddreg [dreg:$0xa]  }
0xf: {  	s10 =	rddreg [dreg:$0xb]  }
0x10: {  	s3 =	rddreg [dreg:$0x15]  }
0x11: {  	s5 =	rddreg [dreg:$0x16]  }
0x12: {  	s23 =	rddreg [dreg:$0x14]  }
0x13: {  	s12 =	rddreg [dreg:$0xd]  }
0x14: {  	s26 =	rddreg [dreg:$0x7]  }
0x15: {  	s29 =	rddreg [dreg:$0x17]  }
0x16: {  	s8 =	rddreg [dreg:$0x9]  }
0x17: {  	s11 =	rddreg [dreg:$0xc]  }
0x18: {  	s13 =	rddreg [dreg:$0xe]  }
0x19: {  	s14 =	rddreg [dreg:$0xf]  }
0x1a: {  	s15 =	rddreg [dreg:$0x10]  }
0x1b: {  	s16 =	rddreg [dreg:$0x11]  }
0x1c: {  	s17 =	rddreg [dreg:$0x12]  }
0x1d: {  	s31 =	simm.s32 $0x80;
	s18 =	rddreg [dreg:$0x13]  }
0x1e: {  	s0 =	sshll.u32 s9, $0x7;
	s1 =	sshll.u32 s10, $0x3;
	p0 =	sgt.s32 s10, $0x40  }
0x1f: {  	s24 =	smul.u32 $0x186A00, s12;
	s2 =	sand.u32 $0xFFFFFC00, s0;
	s1 =	sand.u32 $0xFFFFFC00, s1  }
0x20: {  	s0 =	sand.u32 $0x380, s0;
	s1 =	sadd.s32 s1, s2;
	s2 =	smov.u32 s10  }
0x21: {  	s0 =	sor.u32 s0, s1;
	s2 =	simm.s32 @!p0 $0x40;
	p0 =	sgt.s32 s9, $0x185A0  }
0x22: {  	s1 =	smov.u32 s9;
	s0 =	sshrl.u32 s0, $0x7;
	s2 =	sadd.s32 s3, s2  }
0x23: {  	s1 =	simm.s32 @!p0 $0x185A0;
	s21 =	smulhi.u32 $0x14F8B59, s0;
	s4 =	sadd.s32 $0xFFFFFFC0, s2  }
0x24: {  	s1 =	sadd.s32 s5, s1;
	s2 =	ssub.s32 $0x80, s2;
	p0 =	sgt.s32 s4, $0x3F  }
0x25: {  	s22 =	sadd.s32 $0xFFFE7A60, s1;
	s1 =	ssub.s32 $0x186A0, s1;
	s2 =	simm.s32 @p0 $0x0  }
0x26: {  	s3 =	sshrl.u32 s21, $0x9;
	p0 =	sgt.s32 s22, $0xFF;
	s2 =	smul.u32 s23, s2  }
0x27: {  	s27 =	sand.u32 $0x7, s10;
	s3 =	smul.u32 $0x186A0, s3;
	s1 =	simm.s32 @p0 $0x0  }
0x28: {  	s25 =	sshrl.u32 s10, $0x3;
	s28 =	sshll.u32 s27, $0x12;
	s1 =	smul.u32 s1, s2  }
0x29: {  	s0 =	ssub.s32 s0, s3;
	s3 =	sand.u32 $0xF, s25;
	s2 =	sadd.s32 s26, s24  }
0x2a: {  	s30 =	sor.u32 $0x40, s28;
	s0 =	sshll.u32 s0, $0x4;
	s2 =	sadd.s32 s3, s2  }
0x2b: {  	s4 =	sor.u32 $0x8000, s29;
	s1 =	sand.u32 $0x3FFFFFFF, s1;
	s0 =	sadd.s32 s0, s2  }
0x2c: {  	[hbm4b:s0+s30] =	stream.strided.scatter [tilespmem:s4], [sflag:$0x2], s1, s31, s30, $0x18;
	[tilespmem:$0x10200] =	vst v63  }
.LBB1_17:
0x2d: {  	p0 =	slt.u32 s15, $0x2;
	s0 =	smov.u32 s18;
	s2 =	smov.u32 s17  }
0x2e: {  	p1 =	sgt.s32 @!p0 s18, $0x19;
	s1 =	sshra.s32 @!p0 s18, $0x1F;
	p2 =	sgt.s32 @!p0 s16, $0x185A0  }
0x2f: {  	p3 =	sgt.s32 @!p0 s17, $0x40;
	s3 =	sshra.s32 @!p0 s17, $0x1F;
	p1 =	por !p1, p0  }
0x30: {  	s1 =	sand.u32 @!p0 s1, s18;
	p2 =	por !p2, p0;
	p3 =	por !p3, p0  }
0x31: {  	s3 =	sand.u32 @!p0 s3, s17;
	s0 =	simm.s32 @p1 $0x19;
	s2 =	simm.s32 @p3 $0x40  }
0x32: {  	s0 =	ssub.s32 @!p0 s0, s1;
	s2 =	ssub.s32 @!p0 s2, s3;
	s3 =	sshra.s32 @!p0 s16, $0x1F  }
0x33: {  	s1 =	sadd.s32 @!p0 $0xFFFFFFE7, s0;
	s0 =	ssub.s32 @!p0 $0x1A, s0;
	s3 =	sand.u32 @!p0 s3, s16  }
0x34: {  	s4 =	sadd.s32 @!p0 $0xFFFFFFC0, s2;
	p1 =	sgt.s32 @!p0 s1, $0x0;
	s1 =	smov.u32 s16  }
0x35: {  	s2 =	ssub.s32 @!p0 $0x80, s2;
	s1 =	simm.s32 @p2 $0x185A0;
	p1 =	por !p1, p0  }
0x36: {  	s0 =	simm.s32 @!p1 $0x0;
	s1 =	ssub.s32 @!p0 s1, s3;
	p1 =	sgt.s32 @!p0 s4, $0x3F  }
0x37: {  	s4 =	smov.u32 s13;
	s3 =	sadd.s32 @!p0 $0xFFFE7A60, s1;
	p1 =	por !p1, p0  }
0x38: {  	s1 =	ssub.s32 @!p0 $0x186A0, s1;
	s2 =	simm.s32 @!p1 $0x0;
	p1 =	sgt.s32 @!p0 s3, $0xFF  }
0x39: {  	p1 =	por !p1, p0;
	s0 =	smul.u32 @!p0 s0, s2;
	s2 =	sadd.s32 $0x2000, s11  }
0x3a: {  	s3 =	sadd.s32 $0x40, s13;
	s1 =	simm.s32 @!p1 $0x0;
	p1 =	sgt.s32 s2, $0x1869F  }
0x3b: {  	s0 =	smul.u32 @!p0 s1, s0;
	s4 =	smov.u32 @p1 s3;
	s1 =	rddreg [dreg:$0x6]  }
0x3c: {  	s2 =	smov.u32 @p1 s1;
	p1 =	sgt.s32 s4, $0x31;
	s1 =	simm.s32 $0x1  }
0x3d: {  	s1 =	simm.s32 @!p1 $0x0  }
0x3e: {  	s1 =	sadd.s32 s1, s14  }
0x3f: {  	s17 =	smov.u32 s10;
	s4 =	simm.s32 @p1 $0x0;
	p1 =	sgt.s32 s1, $0x19  }
0x40: {  	s18 =	smov.u32 s12;
	s1 =	simm.s32 @p1 $0x0;
	p1 =	sne.s32 s15, s8  }
.Ltmp1:
0x41: {  	s10 =	smov.u32 s13;
	s12 =	smov.u32 s14;
	(pc) =	sbr.rel @!p1 .LBB1_18-.Ltmp1, $4  }
0x42: {  	s16 =	smov.u32 s9;
	s3 =	simm.s32 @!p0 $0x2;
	s0 =	sand.u32 @!p0 $0x3FFFFFFF, s0  }
0x43: {  	s9 =	smov.u32 s11;
	s11 =	smov.u32 s2;
	_ =	swait.ge @!p0 [sflag:s3], s0  }
0x44: {  	s0 =	ssub.s32 @!p0 $0x0, s0;
	s13 =	smov.u32 s4;
	[sflag:s3] =	ssyncset.done @!p0 $0x0  }
0x45: {  	s15 =	sadd.s32 $0x1, s15;
	[sflag:s3] =	ssyncadd.s32 @!p0 s0;
	s14 =	smov.u32 s1  }
.LBB1_1:
0x46: {  	s0 =	rddreg [dreg:$0x8]  }
0x47: {  	p0 =	sge.u32 s15, s0  }
.Ltmp2:
0x48: {  	_ = 	snop;
	(pc) =	sbr.rel @p0 .LBB1_3-.Ltmp2, $1  }
0x49: {  	_ =	sdelay $0x3  }
0x4a: {  	s0 =	sshrl.u32 s13, $0x3;
	s1 =	sshll.u32 s11, $0x3;
	s20 =	sshll.u32 s13, $0x7  }
0x4b: {  	p0 =	sgt.s32 s14, $0x19;
	s2 =	smov.u32 s14;
	s3 =	sshra.s32 s14, $0x1F  }
0x4c: {  	s22 =	sand.u32 $0x7F, s11;
	s5 =	sshra.s32 s13, $0x1F;
	s29 =	smul.u32 $0xAB100, s14  }
0x4d: {  	s6 =	sshra.s32 s11, $0x1F;
	s28 =	sxor.u32 $0xFFFFFFFF, s15;
	s0 =	smul.u32 $0xC3800, s0  }
0x4e: {  	s30 =	rddreg [dreg:$0x0];
	s1 =	sand.u32 $0xFFFFFC00, s1;
	s2 =	simm.s32 @!p0 $0x19  }
0x4f: {  	s21 =	sand.u32 s3, s14;
	s0 =	sadd.s32 s0, s1;
	s1 =	sand.u32 $0x380, s20  }
0x50: {  	s5 =	sand.u32 s5, s13;
	s0 =	sor.u32 s1, s0;
	s1 =	ssub.s32 s2, s21  }
0x51: {  	s6 =	sand.u32 s6, s11;
	s4 =	smulhi.u32 $0xA79C7B17, s0;
	s2 =	sadd.s32 $0xFFFFFFE7, s1  }
0x52: {  	s0 =	sor.u32 s22, s0;
	s1 =	ssub.s32 $0x1A, s1;
	p0 =	sgt.s32 s2, $0x0  }
0x53: {  	s2 =	smov.u32 s13;
	s1 =	simm.s32 @p0 $0x0;
	p0 =	sgt.s32 s13, $0xFFFFFFF8  }
0x54: {  	s24 =	smulhi.u32 $0xA79C7B17, s0;
	s23 =	sshrl.u32 s4, $0x13;
	s2 =	simm.s32 @!p0 $0xFFFFFFF8  }
0x55: {  	s3 =	smul.u32 $0x2493, s23;
	p0 =	sgt.s32 s11, $0x18600;
	s2 =	ssub.s32 s2, s5  }
0x56: {  	s27 =	sshrl.u32 s24, $0x10;
	s5 =	smov.u32 s11;
	s7 =	sadd.s32 $0x8, s2  }
0x57: {  	s5 =	simm.s32 @!p0 $0x18600;
	s2 =	ssub.s32 $0x38, s2;
	p0 =	sgt.s32 s7, $0x3F  }
0x58: {  	s26 =	sshrl.u32 s3, $0x10;
	s3 =	smul.u32 $0x18700, s27;
	s2 =	simm.s32 @p0 $0x0  }
0x59: {  	s31 =	simm.s32 $0xC3800;
	s5 =	ssub.s32 s5, s6;
	s1 =	smul.u32 s1, s2  }
0x5a: {  	s4 =	sshrl.u32 s4, $0x10;
	s25 =	sadd.s32 $0xFFFE7A00, s5;
	s2 =	smul.u32 $0x38, s26  }
0x5b: {  	s5 =	ssub.s32 $0x18700, s5;
	s0 =	ssub.s32 s0, s3;
	p0 =	sgt.s32 s25, $0xFF  }
0x5c: {  	s3 =	sshrl.u32 s0, $0x3;
	s5 =	simm.s32 @p0 $0x0;
	s2 =	ssub.s32 s4, s2  }
0x5d: {  	s0 =	sand.u32 $0x7, s0;
	s1 =	smul.u32 s5, s1;
	s2 =	sand.u32 $0xFFFF, s2  }
0x5e: {  	s0 =	sshll.u32 s0, $0x12;
	s5 =	sadd.s32 s30, s29;
	s2 =	smul.u32 $0x30E0, s2  }
0x5f: {  	s4 =	sshll.u32 s28, $0xE;
	s0 =	sor.u32 $0x800, s0;
	s3 =	sadd.s32 s3, s5  }
0x60: {  	s4 =	sand.u32 $0x4000, s4;
	s1 =	sand.u32 $0x3FFFFFFF, s1;
	s2 =	sadd.s32 s2, s3  }
0x61: {  	[tilespmem:s4], [sflag:$0x1] =	stream.strided.gather [hbm4b:s2+s0], s1, s31, s0, $0x38;
	[tilespmem:$0x10200] =	vst v63  }
.LBB1_3:
0x62: {  	p0 =	seq.s32 s15, $0x0  }
0x63: {  	p1 =	sge.u32 @!p0 s15, s8  }
0x64: {  	p0 =	por p0, p1  }
.Ltmp3:
0x65: {  	_ = 	snop;
	(pc) =	sbr.rel @p0 .LBB1_17-.Ltmp3, $1  }
0x66: {  	_ =	sdelay $0x3  }
0x67: {  	[dreg:$0x13] =	wrdreg s18  }
0x68: {  	[dreg:$0x12] =	wrdreg s17  }
0x69: {  	[dreg:$0x11] =	wrdreg s16  }
0x6a: {  	[dreg:$0xf] =	wrdreg s14  }
0x6b: {  	[dreg:$0xe] =	wrdreg s13  }
0x6c: {  	[dreg:$0xc] =	wrdreg s11;
	p0 =	sgt.s32 s12, $0x19  }
0x6d: {  	s0 =	smov.u32 s12;
	s1 =	sshra.s32 s12, $0x1F;
	s25 =	ssub.s32 $0x0, s10  }
0x6e: {  	s2 =	sshra.s32 s10, $0x1F;
	s3 =	smov.u32 s10;
	p1 =	sgt.s32 s9, $0x18600  }
0x6f: {  	s27 =	ssub.s32 $0x0, s9;
	[dreg:$0xa] =	wrdreg s9;
	s28 =	sshra.s32 s9, $0x1F  }
0x70: {  	[dreg:$0xd] =	wrdreg s12;
	s0 =	simm.s32 @!p0 $0x19;
	s1 =	sand.u32 s1, s12  }
0x71: {  	p0 =	sgt.s32 s10, $0xFFFFFFF8;
	s29 =	sand.u32 s27, s28;
	s0 =	ssub.s32 s0, s1  }
0x72: {  	s1 =	sand.u32 s25, s2;
	s3 =	simm.s32 @!p0 $0xFFFFFFF8;
	s2 =	smov.u32 s9  }
0x73: {  	s4 =	sadd.s32 $0xFFFFFFE7, s0;
	[dreg:$0x15] =	wrdreg s1;
	s1 =	sadd.s32 s1, s3  }
0x74: {  	s5 =	ssub.s32 $0x1A, s0;
	s2 =	simm.s32 @!p1 $0x18600;
	p0 =	sgt.s32 s4, $0x0  }
0x75: {  	s26 =	sadd.s32 $0x8, s1;
	s0 =	ssub.s32 $0x38, s1;
	s1 =	sadd.s32 s29, s2  }
0x76: {  	[dreg:$0xb] =	wrdreg s10;
	s5 =	simm.s32 @p0 $0x0;
	s2 =	sadd.s32 $0xFFFE7A00, s1  }
0x77: {  	s1 =	ssub.s32 $0x18700, s1;
	p0 =	sgt.s32 s2, $0xFF;
	s2 =	sadd.s32 $0x1, s12  }
0x78: {  	s3 =	sadd.s32 $0x40, s10;
	s1 =	simm.s32 @p0 $0x0;
	p0 =	slt.s32 s2, $0x1A  }
0x79: {  	p1 =	sgt.s32 s26, $0x3F;
	s2 =	simm.s32 @!p0 $0x1A;
	p0 =	slt.s32 s3, $0x32  }
0x7a: {  	s0 =	simm.s32 @p1 $0x0;
	s2 =	ssub.s32 s2, s12;
	s3 =	simm.s32 @!p0 $0x32  }
0x7b: {  	s0 =	smul.u32 s5, s0;
	s25 =	ssub.s32 s3, s10;
	p0 =	slt.s32 s2, $0x1  }
0x7c: {  	[dreg:$0x10] =	wrdreg s15;
	p1 =	slt.s32 @!p0 s25, $0x1  }
0x7d: {  	[dreg:$0x16] =	wrdreg s29;
	s0 =	smul.u32 s1, s0;
	p1 =	por p0, p1  }
.Ltmp4:
0x7e: {  	s30 =	simm.s32 $0x1;
	[dreg:$0x14] =	wrdreg s5;
	(pc) =	sbr.rel @p1 .LBB1_16-.Ltmp4, $4  }
0x7f: {  	[dreg:$0x18] =	wrdreg s2;
	s1 =	sand.u32 $0x3FFFFFFF, s0;
	s0 =	sand.u32 $0x1, s15  }
0x80: {  	_ =	swait.ge [sflag:s30], s1;
	s31 =	smul.u32 $0x4100, s0  }
0x81: {  	s1 =	ssub.s32 $0x0, s1;
	[sflag:s30] =	ssyncset.done $0x0  }
0x82: {  	[sflag:s30] =	ssyncadd.s32 s1;
	[dreg:$0x17] =	wrdreg s31  }
0x83: {  	s2 =	rddreg [dreg:$0xa]  }
0x84: {  	s1 =	sadd.s32 $0x100, s2  }
0x85: {  	p1 =	slt.s32 s1, $0x186A0  }
0x86: {  	s28 =	sshll.u32 @!p0 s0, $0xE;
	s1 =	simm.s32 @!p1 $0x186A0  }
.Ltmp5:
0x87: {  	s0 =	rddreg [dreg:$0x17];
	s1 =	ssub.s32 s1, s2;
	(pc) =	sbr.rel .LBB1_6-.Ltmp5, $4  }
0x88: {  	s0 =	sor.u32 @!p0 $0x8000, s0;
	s1 =	sadd.s32 $0xF, s1  }
0x89: {  	s3 =	simm.s32 $0x0;
	[dreg:$0x19] =	wrdreg s0;
	s30 =	sshll.u32 s1, $0x3  }
0x8a: {  	s26 =	sand.u32 $0xFFFFFFF0, s1;
	s27 =	sand.u32 @!p0 $0xFFFFFF00, s1;
	s31 =	sand.u32 $0xFFFFF800, s30  }
0x8b: {  	p0 =	slt.s32 s1, $0x100;
	p1 =	sge.s32 s27, s26;
	[dreg:$0x1a] =	wrdreg s31  }
.LBB1_15:
0x8c: {  	s3 =	rddreg [dreg:$0x1b]  }
0x8d: {  	s0 =	rddreg [dreg:$0x18];
	s3 =	sadd.s32 $0x1, s3  }
0x8e: {  	p2 =	sne.s32 s3, s0  }
.Ltmp6:
0x8f: {  	_ = 	snop;
	(pc) =	sbr.rel @!p2 .LBB1_16-.Ltmp6, $1  }
0x90: {  	_ =	sdelay $0x3  }
.LBB1_6:
0x91: {  	s0 =	smul.u32 $0x10400, s3;
	s30 =	sshll.u32 s3, $0xE  }
.Ltmp7:
0x92: {  	v0 =	vmov s30;
	(pc) =	sbr.rel .LBB1_7-.Ltmp7, $4  }
0x93: {  	s2 =	sshll.u32 s3, $0x10  }
0x94: {  	s1 =	rddreg [dreg:$0x19];
	s31 =	sshra.s32 s2, $0x2;
	s0 =	sshra.s32 s0, $0x2  }
0x95: {  	[dreg:$0x1b] =	wrdreg s3;
	s1 =	sadd.s32 s0, s1;
	s0 =	sadd.s32 s31, s28  }
0x96: {  	s29 =	simm.s32 $0x0;
	s8 =	simm.s32 $0x0;
	[dreg:$0x1c] =	wrdreg s0  }
.LBB1_14:
0x97: {  	s8 =	sadd.s32 $0x1, s8  }
0x98: {  	p2 =	sne.s32 s8, s25  }
.Ltmp8:
0x99: {  	_ = 	snop;
	(pc) =	sbr.rel @!p2 .LBB1_15-.Ltmp8, $2  }
0x9a: {  	_ =	sdelay $0x2  }
0x9b: {  	s29 =	sadd.s32 $0x100, s29  }
.LBB1_7:
.Ltmp9:
0x9c: {  	(pc) =	sbr.rel @p0 .LBB1_11-.Ltmp9, $2  }
0x9d: {  	_ =	sdelay $0x2  }
0x9e: {  	s9 =	sshll.u32 s8, $0x7  }
0x9f: {  	s7 =	sshll.u32 s8, $0x3  }
0xa0: {  	s2 =	sshll.u32 s8, $0x8;
	s5 =	sand.u32 $0x300, s9;
	s14 =	sand.u32 $0x7F, s8  }
0xa1: {  	s10 =	sshrl.u32 s7, $0x7;
	s6 =	sadd.s32 $0x800, s7;
	s12 =	sadd.s32 $0x1000, s7  }
0xa2: {  	s13 =	sadd.s32 $0x1800, s7;
	s17 =	sadd.s32 $0x2000, s7;
	s20 =	sadd.s32 $0x2800, s7  }
0xa3: {  	s11 =	sand.u32 $0xF8, s10;
	s6 =	sshrl.u32 s6, $0x7;
	s12 =	sshrl.u32 s12, $0x7  }
0xa4: {  	s13 =	sshrl.u32 s13, $0x7;
	s3 =	smul.u32 $0x104, s11;
	s6 =	sand.u32 $0xF8, s6  }
0xa5: {  	s19 =	sshrl.u32 s17, $0x7;
	s12 =	sand.u32 $0xF8, s12;
	s6 =	smul.u32 $0x104, s6  }
0xa6: {  	s0 =	sadd.s32 $0x90, s10;
	s13 =	sand.u32 $0xF8, s13;
	s12 =	smul.u32 $0x104, s12  }
0xa7: {  	s11 =	sxor.u32 $0x80, s11;
	s13 =	smul.u32 $0x104, s13;
	s3 =	sshrl.u32 s3, $0x2  }
0xa8: {  	s11 =	smul.u32 $0x104, s11;
	s3 =	sadd.s32 s3, s1;
	s6 =	sshrl.u32 s6, $0x2  }
0xa9: {  	s12 =	sshrl.u32 s12, $0x2;
	s16 =	sshrl.u32 s13, $0x2;
	s13 =	sshrl.u32 s20, $0x7  }
0xaa: {  	s11 =	sshrl.u32 s11, $0x2;
	s3 =	sadd.s32 s14, s3;
	s6 =	sadd.s32 s6, s1  }
0xab: {  	s15 =	sadd.s32 s12, s1;
	s18 =	sadd.s32 s16, s1;
	s12 =	sand.u32 $0xF8, s19  }
0xac: {  	s13 =	sand.u32 $0xF8, s13;
	s11 =	sadd.s32 s11, s1;
	s19 =	sadd.s32 $0xC0, s10  }
0xad: {  	[dreg:$0x3] =	wrdreg s3;
	s3 =	sadd.s32 s14, s6;
	s12 =	smul.u32 $0x104, s12  }
0xae: {  	s13 =	smul.u32 $0x104, s13;
	[dreg:$0x4] =	wrdreg s3;
	s3 =	sadd.s32 s14, s15  }
0xaf: {  	s15 =	sadd.s32 $0x3000, s7;
	s7 =	sadd.s32 $0x3800, s7;
	[dreg:$0x5] =	wrdreg s3  }
0xb0: {  	s3 =	sadd.s32 s14, s18;
	s15 =	sshrl.u32 s15, $0x7;
	s7 =	sshrl.u32 s7, $0x7  }
0xb1: {  	s12 =	sshrl.u32 s12, $0x2;
	s13 =	sshrl.u32 s13, $0x2;
	s15 =	sand.u32 $0xF8, s15  }
0xb2: {  	s7 =	sand.u32 $0xF8, s7;
	s12 =	sadd.s32 s12, s1;
	s15 =	smul.u32 $0x104, s15  }
0xb3: {  	s21 =	sadd.s32 s13, s1;
	s13 =	sadd.s32 $0xA0, s10;
	s16 =	smul.u32 $0x104, s7  }
0xb4: {  	s7 =	sadd.s32 s14, s12;
	s23 =	sadd.s32 s14, s21;
	s12 =	sand.u32 $0xF8, s0  }
0xb5: {  	s22 =	sshrl.u32 s15, $0x2;
	s30 =	sshrl.u32 s16, $0x2;
	s16 =	sor.u32 $0x400, s2  }
0xb6: {  	s2 =	smul.u32 $0x104, s12;
	s12 =	sand.u32 $0xF8, s13;
	s15 =	sadd.s32 $0xB0, s10  }
0xb7: {  	s24 =	sadd.s32 s22, s1;
	s31 =	sadd.s32 s30, s1;
	s12 =	smul.u32 $0x104, s12  }
0xb8: {  	s22 =	sadd.s32 s14, s11;
	s17 =	sand.u32 $0xF8, s15;
	s30 =	sadd.s32 $0xE0, s10  }
0xb9: {  	s21 =	sadd.s32 s14, s24;
	s20 =	sadd.s32 s14, s31;
	s2 =	sshrl.u32 s2, $0x2  }
0xba: {  	s11 =	smul.u32 $0x104, s17;
	s24 =	sadd.s32 $0xD0, s10;
	s15 =	sand.u32 $0xF8, s30  }
0xbb: {  	s10 =	sadd.s32 $0xF0, s10;
	s2 =	sadd.s32 s2, s1;
	s12 =	sshrl.u32 s12, $0x2  }
0xbc: {  	s13 =	sand.u32 $0xF8, s24;
	s24 =	smul.u32 $0x104, s15;
	s10 =	sand.u32 $0xF8, s10  }
0xbd: {  	s17 =	sadd.s32 s14, s2;
	s18 =	sadd.s32 s12, s1;
	s13 =	smul.u32 $0x104, s13  }
0xbe: {  	s11 =	sshrl.u32 s11, $0x2;
	s12 =	sand.u32 $0xF8, s19;
	s10 =	smul.u32 $0x104, s10  }
0xbf: {  	s12 =	smul.u32 $0x104, s12;
	s11 =	sadd.s32 s11, s1;
	s18 =	sadd.s32 s14, s18  }
0xc0: {  	s0 =	sshrl.u32 s24, $0x2;
	s15 =	sadd.s32 s14, s11;
	s31 =	sshrl.u32 s13, $0x2  }
0xc1: {  	s10 =	sshrl.u32 s10, $0x2;
	s11 =	sadd.s32 s0, s1;
	s12 =	sshrl.u32 s12, $0x2  }
0xc2: {  	s2 =	sadd.s32 s31, s1;
	s10 =	sadd.s32 s10, s1;
	s12 =	sadd.s32 s12, s1  }
0xc3: {  	s13 =	sadd.s32 s14, s11;
	s11 =	sand.u32 $0x3800, s29;
	s19 =	sadd.s32 s14, s12  }
0xc4: {  	s12 =	sadd.s32 s14, s2;
	s14 =	sadd.s32 s14, s10;
	s10 =	sand.u32 $0x3C00, s16  }
0xc5: {  	s4 =	sand.u32 $0x380, s9;
	s30 =	sadd.s32 s11, s28;
	s2 =	sadd.s32 s10, s28  }
0xc6: {  	s6 =	sand.u32 $0x80, s9;
	s31 =	sadd.s32 s4, s30;
	s24 =	sadd.s32 s5, s2  }
0xc7: {  	v2 =	vld.idx.msk [tilespmem:v0+s31+$0x0 ss:$0x1], $0xffff;
	s10 =	sadd.s32 s6, s24;
	s24 =	sadd.s32 s5, s30  }
0xc8: {  	v1 =	vld.idx.msk [tilespmem:v0+s10+$0x70 ss:$0x1], $0xffff;
	s0 =	sadd.s32 s6, s24  }
0xc9: {  	v3 =	vld.idx.msk [tilespmem:v0+s0+$0x70 ss:$0x1], $0xffff  }
0xca: {  	v7 =	vld.idx.msk [tilespmem:v0+s0+$0x10 ss:$0x1], $0xffff  }
0xcb: {  	v8 =	vld.idx.msk [tilespmem:v0+s0+$0x20 ss:$0x1], $0xffff  }
0xcc: {  	s30 =	rddreg [dreg:$0x3];
	v9 =	vld.idx.msk [tilespmem:v0+s0+$0x30 ss:$0x1], $0xffff  }
0xcd: {  	p2 =	sgt.s32 s27, $0x100;
	s31 =	rddreg [dreg:$0x4];
	v5 =	vld.idx.msk [tilespmem:v0+s0+$0x40 ss:$0x1], $0xffff;
	[tilespmem:s30+$0x0 ss:$0x41] =	vst.msk $0xffff, v2  }
.Ltmp10:
0xce: {  	v6 =	vld.idx.msk [tilespmem:v0+s0+$0x50 ss:$0x1], $0xffff;
	[tilespmem:s14+$0x0 ss:$0x41] =	vst.msk $0xffff, v1;
	(pc) =	sbr.rel @!p2 .LBB1_10-.Ltmp10, $4  }
0xcf: {  	v4 =	vld.idx.msk [tilespmem:v0+s0+$0x60 ss:$0x1], $0xffff;
	s24 =	rddreg [dreg:$0x5];
	[tilespmem:s20+$0x0 ss:$0x41] =	vst.msk $0xffff, v3  }
0xd0: {  	v2 =	vld.idx.msk [tilespmem:v0+s10+$0x10 ss:$0x1], $0xffff;
	[tilespmem:s31+$0x0 ss:$0x41] =	vst.msk $0xffff, v7  }
0xd1: {  	s16 =	sadd.s32 $0x800, s16;
	v1 =	vld.idx.msk [tilespmem:v0+s10+$0x20 ss:$0x1], $0xffff;
	[tilespmem:s3+$0x0 ss:$0x41] =	vst.msk $0xffff, v9  }
0xd2: {  	s11 =	sadd.s32 s4, s2;
	s2 =	smov.u32 s29;
	v3 =	vld.idx.msk [tilespmem:v0+s10+$0x30 ss:$0x1], $0xffff;
	[tilespmem:s24+$0x0 ss:$0x41] =	vst.msk $0xffff, v8;
	s24 =	simm.s32 $0x100  }
.LBB1_9:
0xd3: {  	s31 =	sand.u32 $0x3C00, s16;
	v7 =	vld.idx.msk [tilespmem:v0+s11+$0x0 ss:$0x1], $0xffff;
	[tilespmem:s7+$0x0 ss:$0x41] =	vst.msk $0xffff, v5  }
0xd4: {  	s2 =	sadd.s32 $0x800, s2;
	s31 =	sadd.s32 s31, s28;
	v5 =	vld.idx.msk [tilespmem:v0+s10+$0x40 ss:$0x1], $0xffff;
	[tilespmem:s23+$0x0 ss:$0x41] =	vst.msk $0xffff, v6  }
0xd5: {  	s30 =	sand.u32 $0x3800, s2;
	s0 =	sadd.s32 s5, s31;
	v6 =	vld.idx.msk [tilespmem:v0+s10+$0x50 ss:$0x1], $0xffff;
	[tilespmem:s21+$0x0 ss:$0x41] =	vst.msk $0xffff, v4  }
0xd6: {  	s30 =	sadd.s32 s30, s28;
	v4 =	vld.idx.msk [tilespmem:v0+s10+$0x60 ss:$0x1], $0xffff;
	s10 =	sadd.s32 s6, s0;
	[tilespmem:s17+$0x0 ss:$0x41] =	vst.msk $0xffff, v2  }
0xd7: {  	s0 =	sadd.s32 s4, s30;
	s30 =	sadd.s32 s5, s30;
	[tilespmem:s18+$0x0 ss:$0x41] =	vst.msk $0xffff, v1;
	v2 =	vld.idx.msk [tilespmem:v0+s10+$0x70 ss:$0x1], $0xffff  }
0xd8: {  	[tilespmem:s15+$0x0 ss:$0x41] =	vst.msk $0xffff, v3;
	v1 =	vld.idx.msk [tilespmem:v0+s0+$0x0 ss:$0x1], $0xffff;
	s0 =	sadd.s32 s6, s30  }
0xd9: {  	[tilespmem:s22+$0x0 ss:$0x41] =	vst.msk $0xffff, v7;
	v3 =	vld.idx.msk [tilespmem:v0+s0+$0x70 ss:$0x1], $0xffff  }
0xda: {  	v8 =	vld.idx.msk [tilespmem:v0+s0+$0x10 ss:$0x1], $0xffff;
	[tilespmem:s19+$0x0 ss:$0x41] =	vst.msk $0xffff, v5  }
0xdb: {  	v9 =	vld.idx.msk [tilespmem:v0+s0+$0x20 ss:$0x1], $0xffff;
	[tilespmem:s12+$0x0 ss:$0x41] =	vst.msk $0xffff, v6  }
0xdc: {  	s24 =	sadd.s32 $0x100, s24;
	v10 =	vld.idx.msk [tilespmem:v0+s0+$0x30 ss:$0x1], $0xffff;
	[tilespmem:s13+$0x0 ss:$0x41] =	vst.msk $0xffff, v4  }
0xdd: {  	p2 =	slt.s32 s24, s27;
	s30 =	rddreg [dreg:$0x3];
	v5 =	vld.idx.msk [tilespmem:v0+s0+$0x40 ss:$0x1], $0xffff;
	[tilespmem:s14+$0x0 ss:$0x41] =	vst.msk $0xffff, v2  }
.Ltmp11:
0xde: {  	v6 =	vld.idx.msk [tilespmem:v0+s0+$0x50 ss:$0x1], $0xffff;
	[tilespmem:s30+$0x0 ss:$0x41] =	vst.msk $0xffff, v1;
	(pc) =	sbr.rel @p2 .LBB1_9-.Ltmp11, $4  }
0xdf: {  	s11 =	sadd.s32 s4, s31;
	s31 =	rddreg [dreg:$0x4];
	v4 =	vld.idx.msk [tilespmem:v0+s0+$0x60 ss:$0x1], $0xffff;
	[tilespmem:s20+$0x0 ss:$0x41] =	vst.msk $0xffff, v3  }
0xe0: {  	s30 =	rddreg [dreg:$0x5];
	v2 =	vld.idx.msk [tilespmem:v0+s10+$0x10 ss:$0x1], $0xffff;
	[tilespmem:s31+$0x0 ss:$0x41] =	vst.msk $0xffff, v8  }
0xe1: {  	v1 =	vld.idx.msk [tilespmem:v0+s10+$0x20 ss:$0x1], $0xffff;
	[tilespmem:s30+$0x0 ss:$0x41] =	vst.msk $0xffff, v9  }
0xe2: {  	s16 =	sadd.s32 $0x800, s16;
	[tilespmem:s3+$0x0 ss:$0x41] =	vst.msk $0xffff, v10;
	v3 =	vld.idx.msk [tilespmem:v0+s10+$0x30 ss:$0x1], $0xffff  }
.LBB1_10:
0xe3: {  	_ =	sdelay $0x2  }
0xe4: {  	[tilespmem:s7+$0x0 ss:$0x41] =	vst.msk $0xffff, v5  }
0xe5: {  	v61 =	vld.idx.msk [tilespmem:v0+s10+$0x40 ss:$0x1], $0xffff;
	[tilespmem:s23+$0x0 ss:$0x41] =	vst.msk $0xffff, v6  }
0xe6: {  	v62 =	vld.idx.msk [tilespmem:v0+s10+$0x50 ss:$0x1], $0xffff;
	[tilespmem:s21+$0x0 ss:$0x41] =	vst.msk $0xffff, v4  }
0xe7: {  	v63 =	vld.idx.msk [tilespmem:v0+s10+$0x60 ss:$0x1], $0xffff;
	[tilespmem:s17+$0x0 ss:$0x41] =	vst.msk $0xffff, v2  }
0xe8: {  	v2 =	vld.idx.msk [tilespmem:v0+s11+$0x0 ss:$0x1], $0xffff;
	[tilespmem:s18+$0x0 ss:$0x41] =	vst.msk $0xffff, v1  }
0xe9: {  	[tilespmem:s15+$0x0 ss:$0x41] =	vst.msk $0xffff, v3  }
0xea: {  	[tilespmem:s19+$0x0 ss:$0x41] =	vst.msk $0xffff, v61  }
0xeb: {  	[tilespmem:s12+$0x0 ss:$0x41] =	vst.msk $0xffff, v62  }
0xec: {  	[tilespmem:s13+$0x0 ss:$0x41] =	vst.msk $0xffff, v63  }
0xed: {  	[tilespmem:s22+$0x0 ss:$0x41] =	vst.msk $0xffff, v2  }
.LBB1_11:
.Ltmp12:
0xee: {  	(pc) =	sbr.rel @p1 .LBB1_14-.Ltmp12, $1  }
0xef: {  	_ =	sdelay $0x3  }
0xf0: {  	s2 =	sshrl.u32 s8, $0x4;
	s3 =	sand.u32 $0x3800, s29;
	s0 =	rddreg [dreg:$0x1c]  }
0xf1: {  	s4 =	sand.u32 $0x300, s9;
	s5 =	sand.u32 $0x80, s9;
	s31 =	rddreg [dreg:$0x1a]  }
0xf2: {  	s6 =	sand.u32 $0x7F, s8;
	s4 =	sadd.s32 s4, s0;
	s3 =	sadd.s32 s3, s31  }
0xf3: {  	s4 =	sadd.s32 s5, s4;
	s5 =	sadd.s32 s6, s1;
	s6 =	smov.u32 s27  }
.LBB1_13:
0xf4: {  	s0 =	sand.u32 $0x3C00, s3  }
0xf5: {  	s7 =	sand.u32 $0x70, s6;
	s30 =	sadd.s32 s6, s2;
	s0 =	sadd.s32 s0, s4  }
0xf6: {  	s6 =	sadd.s32 $0x10, s6;
	s31 =	sand.u32 $0xF8, s30;
	s0 =	sadd.s32 s7, s0  }
0xf7: {  	p2 =	slt.s32 s6, s26;
	v1 =	vld [tilespmem:s0+$0x0];
	s0 =	smul.u32 $0x104, s31  }
.Ltmp13:
0xf8: {  	_ = 	snop;
	(pc) =	sbr.rel @p2 .LBB1_13-.Ltmp13, $4  }
0xf9: {  	_ = 	snop  }
0xfa: {  	s0 =	sshrl.u32 s0, $0x2  }
0xfb: {  	s0 =	sadd.s32 s0, s5  }
0xfc: {  	s3 =	sadd.s32 $0x80, s3;
	[tilespmem:s0+$0x0 ss:$0x41] =	vst.msk $0xffff, v1  }
.Ltmp14:
0xfd: {  	_ = 	snop;
	(pc) =	sbr.rel .LBB1_14-.Ltmp14, $1  }
0xfe: {  	_ =	sdelay $0x3  }
.LBB1_18:
0xff: {  	_ =	sfence.sel $0x180000  }
0x100: {  	s0 =	simm.s32 $0x1;
	[bflag:$0x0] =	sbarrier.arrive $0xFFFF  }
0x101: {  	s30 =	simm.s32 $0x2;
	[sflag:s0] =	ssyncpa.u1 $0x1  }
0x102: {  	[sflag:s30] =	ssyncpa.u1 $0x1  }
0x103: {  	_ =	strace $0x90000047  }
0x104: {  	s31 =	stileid.u32;
	[bflag:$0x2] =	sbarrier.arrive $0xFFFF  }
0x105: {  	p0 =	sne.s32 s31, $0x0;
	s0 =	rddreg [dreg:$0x2]  }
0x106: {  	s0 =	sadd.s32 @!p0 $0x100000, s0  }
0x107: {  	[sflag:s0] =	ssyncadd.tile.s32 @!p0 $0x1;
	_ =	shalt  }
.Lfunc_end1:
_tile_overlayer_lowered:
.L_overlay_start_2:
0x108: {  	(tag) =	ssettag $0x2  }
0x109: {  	s0 =	rddreg [dreg:$0x0];
	s2 =	stileid.u32  }
0x10a: {  	s1 =	rddreg [dreg:$0x1];
	p0 =	sne.s32 s2, $0x0  }
0x10b: {  	s3 =	rddreg [dreg:$0x2];
	[bflag:$0x3] =	sbarrier.arrive $0xFFFF;
	s2 =	simm.s32 @!p0 $0x1C01  }
0x10c: {  	[timem:s3], [sflag:s2] =	dma.local @!p0 [hbm:s0], s1  }
0x10d: {  	s0 =	simm.s32 @!p0 $0x1  }
0x10e: {  	_ =	swait.ge @!p0 [sflag:s0], s1  }
0x10f: {  	s1 =	ssub.s32 @!p0 $0x0, s1;
	[sflag:s0] =	ssyncset.done @!p0 $0x0  }
0x110: {  	[sflag:s0] =	ssyncadd.s32 @!p0 s1  }
0x111: {  	[bflag:$0x3] =	sbarrier.arrive $0xFFFF  }
0x112: {  	_ =	shalt  }

</sc_bundles>
